<compile_context>
chip_gen: v7x
topology: tpu7x:2x2x1
jax: 0.10.2.dev20260603
libtpu: 0.0.44.dev20260713+nightly
codegen_flags: <defaults>
</compile_context>

<pallas_src>
import functools

import jax
import jax.numpy as jnp
from jax import lax
from jax.experimental import pallas as pl
from jax.experimental.pallas import tpu as pltpu
from jax.experimental.pallas import tpu_sc as plsc

_B = 64
_HW = 65536
_OBJS = 256
_PARTS = 17
_NIDX = _OBJS * _PARTS

_LANES = 16
_NVEC = _NIDX // _LANES

@functools.cache
def _make_sc_gather():
    info = plsc.get_sparse_core_info()
    nc, ns = info.num_cores, info.num_subcores
    nw = nc * ns
    bpw = _B // nw
    mesh = plsc.VectorSubcoreMesh(core_axis_name="c", subcore_axis_name="s")

    @functools.partial(
        pl.kernel,
        mesh=mesh,
        compiler_params=pltpu.CompilerParams(needs_layout_passes=False),
        out_type=jax.ShapeDtypeStruct((_B, _PARTS, _OBJS), jnp.float32),
        scratch_types=[
            pltpu.VMEM((256, 256), jnp.float32),
            pltpu.VMEM((_NIDX,), jnp.int32),
            pltpu.VMEM((_PARTS, _OBJS), jnp.float32),
            pltpu.SemaphoreType.DMA,
        ],
    )
    def sc_gather(ae_hbm, ind_hbm, out_hbm, img_v, idx_v, vals_v, sem):
        wid = lax.axis_index("s") * nc + lax.axis_index("c")
        for i in range(bpw):
            b = wid * bpw + i
            cp = pltpu.async_copy(ae_hbm.at[b], img_v, sem)
            pltpu.sync_copy(ind_hbm.at[b], idx_v)
            cp.wait()

            @plsc.parallel_loop(0, _NVEC, unroll=8)
            def _(k):
                idx = idx_v[pl.ds(k * _LANES, _LANES)]
                p = k >> 4
                o0 = (k & 15) * _LANES
                vals_v[p, pl.ds(o0, _LANES)] = plsc.load_gather(
                    img_v, [idx >> 8, idx & 255]
                )
            pltpu.sync_copy(vals_v, out_hbm.at[b])

    return sc_gather


_BB = 32


def _tc_body(tag_ref, mask_ref, pull_ref, push_ref):
    step = pl.program_id(0)
    t = tag_ref[...]
    m = mask_ref[...]
    s0 = jnp.sum(m, axis=1, keepdims=True)
    s1 = jnp.sum(t * m, axis=1, keepdims=True)
    tm = s1 / (s0 + 1e-4)
    has_obj = s0 != 0.0
    obj_num = jnp.sum(has_obj.astype(jnp.float32), axis=2, keepdims=True)

    pull_dist = (t - tm) ** 2 * m
    pull_num = jnp.sum(pull_dist, axis=(1, 2), keepdims=True)
    pull_b = pull_num / (obj_num + 1e-4)

    sent = 100.0 + 2.0 * lax.broadcasted_iota(
        jnp.int32, (_BB, 1, _OBJS), 2
    ).astype(jnp.float32)
    tmz = jnp.where(has_obj, tm, sent)
    ones = jnp.ones((_BB, 1, _OBJS), jnp.float32)
    dn = (((1,), (1,)), ((0,), (0,)))
    tmi = lax.dot_general(tmz, ones, dn, preferred_element_type=jnp.float32)
    tmj = jnp.broadcast_to(tmz, (_BB, _OBJS, _OBJS))
    pd = jnp.maximum(1.0 - jnp.abs(tmi - tmj), 0.0)
    push_sum = jnp.sum(pd, axis=(1, 2), keepdims=True)
    push_b = (push_sum - float(_OBJS)) / (obj_num * (obj_num - 1.0) + 1e-4)

    pull_v = jnp.sum(pull_b) / _B
    push_v = jnp.sum(push_b) / _B

    @pl.when(step == 0)
    def _():
        pull_ref[0, 0] = 0.0
        push_ref[0, 0] = 0.0

    pull_ref[0, 0] += pull_v
    push_ref[0, 0] += push_v


def _tc_loss(tag3, mask3):
    steps = _B // _BB
    return pl.pallas_call(
        _tc_body,
        grid=(steps,),
        in_specs=[
            pl.BlockSpec((_BB, _PARTS, _OBJS), lambda i: (i, 0, 0)),
            pl.BlockSpec((_BB, _PARTS, _OBJS), lambda i: (i, 0, 0)),
        ],
        out_specs=[
            pl.BlockSpec((1, 1), lambda i: (0, 0), memory_space=pltpu.SMEM),
            pl.BlockSpec((1, 1), lambda i: (0, 0), memory_space=pltpu.SMEM),
        ],
        out_shape=[
            jax.ShapeDtypeStruct((1, 1), jnp.float32),
            jax.ShapeDtypeStruct((1, 1), jnp.float32),
        ],
    )(tag3, mask3)


def kernel(ae, ind, ind_mask):
    b, _, h, w = ae.shape
    ae3 = ae.reshape(b, h, w)
    ind_pm = ind.transpose(0, 2, 1).reshape(b, _NIDX).astype(jnp.int32)
    mask_pm = ind_mask.transpose(0, 2, 1)
    tag3 = _make_sc_gather()(ae3, ind_pm)
    pull, push = _tc_loss(tag3, mask_pm)
    return pull[0, 0], push[0, 0]

# --- scband reference (transcript-rebuilt; emitter-appended) ---
"""Pipeline reference for scband-aeloss-13554916786706 (READ-ONLY COPY).

The authoritative reference and input builder live on the scoring server;
editing this copy changes nothing except your own understanding.
"""

import jax, jax.numpy as jnp
import numpy as np


def setup_inputs(seed: int = 0) -> dict:
    key = jax.random.key(seed)
    k1, k2, k3 = jax.random.split(key, 3)
    b, h, w = 64, 256, 256
    max_objs, max_parts = 256, 17
    ae = jax.random.normal(k1, (b, 1, h, w), dtype=jnp.float32)
    ind = jax.random.randint(k2, (b, max_objs, max_parts), 0, h * w, dtype=jnp.int64)
    ind_mask = jax.random.randint(k3, (b, max_objs, max_parts), 0, 2).astype(jnp.float32)
    return {"ae": ae, "ind": ind, "ind_mask": ind_mask}


def reference(ae, ind, ind_mask):
    b, _, h, w = ae.shape
    b, max_objs, max_parts = ind.shape
    obj_mask = jnp.sum(ind_mask, axis=2) != 0
    ae_flat = ae.reshape(b, h * w)
    seed_ind = ind.reshape(b, max_objs * max_parts)
    tag = jnp.take_along_axis(ae_flat, seed_ind, axis=1).reshape(b, max_objs, max_parts)
    tag_mean = tag * ind_mask
    tag_mean = tag_mean.sum(axis=2) / (ind_mask.sum(axis=2) + 0.0001)
    pull_dist = (tag - tag_mean[:, :, None]) ** 2 * ind_mask
    obj_num = obj_mask.sum(axis=1).astype(jnp.float32)
    pull = (pull_dist.sum(axis=(1, 2)) / (obj_num + 0.0001)).sum()
    pull = pull / b
    push_dist = jnp.abs(tag_mean[:, None, :] - tag_mean[:, :, None])
    push_dist = 1.0 - push_dist
    push_dist = jax.nn.relu(push_dist)
    pair_mask = (obj_mask[:, None, :].astype(jnp.int32) + obj_mask[:, :, None].astype(jnp.int32)) == 2
    push_dist = push_dist * pair_mask.astype(jnp.float32)
    push = ((push_dist.sum(axis=(1, 2)) - obj_num) / (obj_num * (obj_num - 1.0) + 0.0001)).sum()
    push = push / b
    return (pull, push)

if __name__ == "__main__":
    import jax
    _d = setup_inputs()
    print(jax.jit(kernel)(*tuple(_d.values())))

</pallas_src>

<mosaic_0001>
#map = affine_map<(d0, d1) -> (0, 0, 0)>
#map1 = affine_map<(d0, d1) -> (0, 0)>
module attributes {stable_mosaic.version = 14 : i64} {
  func.func @sc_gather(%arg0: i32, %arg1: i32, %arg2: memref<64x256x256xf32, #tpu.memory_space<hbm>>, %arg3: memref<64x4352xi32, #tpu.memory_space<hbm>>, %arg4: memref<64x17x256xf32, #tpu.memory_space<hbm>>, %arg5: memref<256x256xf32, #tpu.memory_space<vmem>>, %arg6: memref<4352xi32, #tpu.memory_space<vmem>>, %arg7: memref<17x256xf32, #tpu.memory_space<vmem>>, %arg8: memref<!tpu.dma_semaphore, #tpu.memory_space<semaphore_mem>>) attributes {dimension_semantics = [#tpu.dimension_semantics<core_parallel>, #tpu.dimension_semantics<subcore_parallel>], iteration_bounds = array<i64: 2, 16>, scalar_prefetch = 0 : i64, scratch_operands = 4 : i64, tpu.core_type = #tpu.core_type<sc_vector_subcore>, window_params = [{transform_indices = #map}, {transform_indices = #map1}, {transform_indices = #map}]} {
    %mul3A = arith.constant 2 : i32
    %mul3A_0 = arith.muli %arg1, %mul3A : i32
    %add3A = arith.addi %mul3A_0, %arg0 : i32
    %mul3A_1 = arith.constant 2 : i32
    %mul3A_2 = arith.muli %add3A, %mul3A_1 : i32
    %add3A_3 = arith.constant 0 : i32
    %add3A_4 = arith.addi %mul3A_2, %add3A_3 : i32
    %dma_start3A = arith.constant 0 : i32
    %dma_start3A_5 = arith.constant 0 : i32
    %dma_start3A_6 = tpu.memref_slice %arg2[%add3A_4, %dma_start3A, %dma_start3A_5] : memref<64x256x256xf32, #tpu.memory_space<hbm>> -> memref<1x256x256xf32, #tpu.memory_space<hbm>>
    %dma_start3A_7 = tpu.memref_squeeze %dma_start3A_6 : memref<1x256x256xf32, #tpu.memory_space<hbm>> -> memref<256x256xf32, #tpu.memory_space<hbm>>
    %dma_start3A_8 = arith.constant 0 : i32
    %dma_start3A_9 = arith.constant 0 : i32
    %dma_start3A_10 = tpu.memref_slice %arg2[%add3A_4, %dma_start3A_8, %dma_start3A_9] : memref<64x256x256xf32, #tpu.memory_space<hbm>> -> memref<1x256x256xf32, #tpu.memory_space<hbm>>
    %dma_start3A_11 = tpu.memref_squeeze %dma_start3A_10 : memref<1x256x256xf32, #tpu.memory_space<hbm>> -> memref<256x256xf32, #tpu.memory_space<hbm>>
    tpu.enqueue_dma source(%dma_start3A_11 : memref<256x256xf32, #tpu.memory_space<hbm>>) target(%arg5 : memref<256x256xf32, #tpu.memory_space<vmem>>) target_semaphore(%arg8 : memref<!tpu.dma_semaphore, #tpu.memory_space<semaphore_mem>>)
    "tpu.region"() ({
      %run_scoped3A = tpu.sem_alloc : memref<!tpu.dma_semaphore, #tpu.memory_space<semaphore_mem>>
      %dma_start3A_44 = arith.constant 0 : i32
      %dma_start3A_45 = tpu.memref_slice %arg3[%add3A_4, %dma_start3A_44] : memref<64x4352xi32, #tpu.memory_space<hbm>> -> memref<1x4352xi32, #tpu.memory_space<hbm>>
      %dma_start3A_46 = tpu.memref_squeeze %dma_start3A_45 : memref<1x4352xi32, #tpu.memory_space<hbm>> -> memref<4352xi32, #tpu.memory_space<hbm>>
      %dma_start3A_47 = arith.constant 0 : i32
      %dma_start3A_48 = tpu.memref_slice %arg3[%add3A_4, %dma_start3A_47] : memref<64x4352xi32, #tpu.memory_space<hbm>> -> memref<1x4352xi32, #tpu.memory_space<hbm>>
      %dma_start3A_49 = tpu.memref_squeeze %dma_start3A_48 : memref<1x4352xi32, #tpu.memory_space<hbm>> -> memref<4352xi32, #tpu.memory_space<hbm>>
      tpu.enqueue_dma source(%dma_start3A_49 : memref<4352xi32, #tpu.memory_space<hbm>>) target(%arg6 : memref<4352xi32, #tpu.memory_space<vmem>>) target_semaphore(%run_scoped3A : memref<!tpu.dma_semaphore, #tpu.memory_space<semaphore_mem>>)
      %dma_wait3A_50 = arith.constant 0 : i32
      %dma_wait3A_51 = tpu.memref_slice %arg3[%add3A_4, %dma_wait3A_50] : memref<64x4352xi32, #tpu.memory_space<hbm>> -> memref<1x4352xi32, #tpu.memory_space<hbm>>
      %dma_wait3A_52 = tpu.memref_squeeze %dma_wait3A_51 : memref<1x4352xi32, #tpu.memory_space<hbm>> -> memref<4352xi32, #tpu.memory_space<hbm>>
      %dma_wait3A_53 = arith.constant 0 : i32
      %dma_wait3A_54 = tpu.memref_slice %arg3[%add3A_4, %dma_wait3A_53] : memref<64x4352xi32, #tpu.memory_space<hbm>> -> memref<1x4352xi32, #tpu.memory_space<hbm>>
      %dma_wait3A_55 = tpu.memref_squeeze %dma_wait3A_54 : memref<1x4352xi32, #tpu.memory_space<hbm>> -> memref<4352xi32, #tpu.memory_space<hbm>>
      tpu.wait_dma2 semaphore(%run_scoped3A : memref<!tpu.dma_semaphore, #tpu.memory_space<semaphore_mem>>) src(%dma_wait3A_55 : memref<4352xi32, #tpu.memory_space<hbm>>) dst(%arg6 : memref<4352xi32, #tpu.memory_space<vmem>>)
      tpu.yield
    }) : () -> ()
    %dma_wait3A = arith.constant 0 : i32
    %dma_wait3A_12 = arith.constant 0 : i32
    %dma_wait3A_13 = tpu.memref_slice %arg2[%add3A_4, %dma_wait3A, %dma_wait3A_12] : memref<64x256x256xf32, #tpu.memory_space<hbm>> -> memref<1x256x256xf32, #tpu.memory_space<hbm>>
    %dma_wait3A_14 = tpu.memref_squeeze %dma_wait3A_13 : memref<1x256x256xf32, #tpu.memory_space<hbm>> -> memref<256x256xf32, #tpu.memory_space<hbm>>
    %dma_wait3A_15 = arith.constant 0 : i32
    %dma_wait3A_16 = arith.constant 0 : i32
    %dma_wait3A_17 = tpu.memref_slice %arg2[%add3A_4, %dma_wait3A_15, %dma_wait3A_16] : memref<64x256x256xf32, #tpu.memory_space<hbm>> -> memref<1x256x256xf32, #tpu.memory_space<hbm>>
    %dma_wait3A_18 = tpu.memref_squeeze %dma_wait3A_17 : memref<1x256x256xf32, #tpu.memory_space<hbm>> -> memref<256x256xf32, #tpu.memory_space<hbm>>
    tpu.wait_dma2 semaphore(%arg8 : memref<!tpu.dma_semaphore, #tpu.memory_space<semaphore_mem>>) src(%dma_wait3A_18 : memref<256x256xf32, #tpu.memory_space<hbm>>) dst(%arg5 : memref<256x256xf32, #tpu.memory_space<vmem>>)
    %parallel_loop3A = arith.constant 0 : i32
    %parallel_loop3A_19 = arith.constant 272 : i32
    %parallel_loop3A_20 = arith.constant 1 : i32
    scf.for %parallel_loop3A_44 = %parallel_loop3A to %parallel_loop3A_19 step %parallel_loop3A_20  : i32 {
      %parallel_loop3A_45 = arith.constant 16 : i32
      %parallel_loop3A_46 = arith.muli %parallel_loop3A_44, %parallel_loop3A_45 : i32
      %parallel_loop3A_47 = arith.index_cast %parallel_loop3A_46 : i32 to index
      %parallel_loop3A_48 = tpu.vector_load %arg6[%parallel_loop3A_47] {strides = array<i32>} : memref<4352xi32, #tpu.memory_space<vmem>>, vector<16xi32>,
      %parallel_loop3A_49 = arith.constant 4 : i32
      %parallel_loop3A_50 = arith.shrsi %parallel_loop3A_44, %parallel_loop3A_49 : i32
      %parallel_loop3A_51 = arith.constant 15 : i32
      %parallel_loop3A_52 = arith.andi %parallel_loop3A_44, %parallel_loop3A_51 : i32
      %parallel_loop3A_53 = arith.constant 16 : i32
      %parallel_loop3A_54 = arith.muli %parallel_loop3A_52, %parallel_loop3A_53 : i32
      %parallel_loop3A_55 = arith.constant 8 : i32
      %parallel_loop3A_56 = vector.broadcast %parallel_loop3A_55 : i32 to vector<16xi32>
      %parallel_loop3A_57 = arith.shrsi %parallel_loop3A_48, %parallel_loop3A_56 : vector<16xi32>
      %parallel_loop3A_58 = arith.constant 255 : i32
      %parallel_loop3A_59 = vector.broadcast %parallel_loop3A_58 : i32 to vector<16xi32>
      %parallel_loop3A_60 = arith.andi %parallel_loop3A_48, %parallel_loop3A_59 : vector<16xi32>
      %parallel_loop3A_61 = tpu.vector_load_idx %arg5[%parallel_loop3A_57, %parallel_loop3A_60] : memref<256x256xf32, #tpu.memory_space<vmem>>[vector<16xi32>, vector<16xi32>], vector<16xf32>,
      %parallel_loop3A_62 = arith.index_cast %parallel_loop3A_50 : i32 to index
      %parallel_loop3A_63 = arith.index_cast %parallel_loop3A_54 : i32 to index
      %parallel_loop3A_64 = tpu.vector_load %arg7[%parallel_loop3A_62, %parallel_loop3A_63] {strides = array<i32>} : memref<17x256xf32, #tpu.memory_space<vmem>>, vector<16xf32>,
      tpu.vector_store %arg7[%parallel_loop3A_62, %parallel_loop3A_63], %parallel_loop3A_61 {strides = array<i32>} : memref<17x256xf32, #tpu.memory_space<vmem>>, vector<16xf32>,
    } {sc.loop_unroll_factor = 8 : i64, sc.parallel_access}
    "tpu.region"() ({
      %run_scoped3A = tpu.sem_alloc : memref<!tpu.dma_semaphore, #tpu.memory_space<semaphore_mem>>
      %dma_start3A_44 = arith.constant 0 : i32
      %dma_start3A_45 = arith.constant 0 : i32
      %dma_start3A_46 = tpu.memref_slice %arg4[%add3A_4, %dma_start3A_44, %dma_start3A_45] : memref<64x17x256xf32, #tpu.memory_space<hbm>> -> memref<1x17x256xf32, #tpu.memory_space<hbm>>
      %dma_start3A_47 = tpu.memref_squeeze %dma_start3A_46 : memref<1x17x256xf32, #tpu.memory_space<hbm>> -> memref<17x256xf32, #tpu.memory_space<hbm>>
      %dma_start3A_48 = arith.constant 0 : i32
      %dma_start3A_49 = arith.constant 0 : i32
      %dma_start3A_50 = tpu.memref_slice %arg4[%add3A_4, %dma_start3A_48, %dma_start3A_49] : memref<64x17x256xf32, #tpu.memory_space<hbm>> -> memref<1x17x256xf32, #tpu.memory_space<hbm>>
      %dma_start3A_51 = tpu.memref_squeeze %dma_start3A_50 : memref<1x17x256xf32, #tpu.memory_space<hbm>> -> memref<17x256xf32, #tpu.memory_space<hbm>>
      tpu.enqueue_dma source(%arg7 : memref<17x256xf32, #tpu.memory_space<vmem>>) target(%dma_start3A_51 : memref<17x256xf32, #tpu.memory_space<hbm>>) target_semaphore(%run_scoped3A : memref<!tpu.dma_semaphore, #tpu.memory_space<semaphore_mem>>)
      %dma_wait3A_52 = arith.constant 0 : i32
      %dma_wait3A_53 = arith.constant 0 : i32
      %dma_wait3A_54 = tpu.memref_slice %arg4[%add3A_4, %dma_wait3A_52, %dma_wait3A_53] : memref<64x17x256xf32, #tpu.memory_space<hbm>> -> memref<1x17x256xf32, #tpu.memory_space<hbm>>
      %dma_wait3A_55 = tpu.memref_squeeze %dma_wait3A_54 : memref<1x17x256xf32, #tpu.memory_space<hbm>> -> memref<17x256xf32, #tpu.memory_space<hbm>>
      %dma_wait3A_56 = arith.constant 0 : i32
      %dma_wait3A_57 = arith.constant 0 : i32
      %dma_wait3A_58 = tpu.memref_slice %arg4[%add3A_4, %dma_wait3A_56, %dma_wait3A_57] : memref<64x17x256xf32, #tpu.memory_space<hbm>> -> memref<1x17x256xf32, #tpu.memory_space<hbm>>
      %dma_wait3A_59 = tpu.memref_squeeze %dma_wait3A_58 : memref<1x17x256xf32, #tpu.memory_space<hbm>> -> memref<17x256xf32, #tpu.memory_space<hbm>>
      tpu.wait_dma2 semaphore(%run_scoped3A : memref<!tpu.dma_semaphore, #tpu.memory_space<semaphore_mem>>) src(%arg7 : memref<17x256xf32, #tpu.memory_space<vmem>>) dst(%dma_wait3A_59 : memref<17x256xf32, #tpu.memory_space<hbm>>)
      tpu.yield
    }) : () -> ()
    %mul3A_21 = arith.constant 2 : i32
    %mul3A_22 = arith.muli %add3A, %mul3A_21 : i32
    %add3A_23 = arith.constant 1 : i32
    %add3A_24 = arith.addi %mul3A_22, %add3A_23 : i32
    %dma_start3A_25 = arith.constant 0 : i32
    %dma_start3A_26 = arith.constant 0 : i32
    %dma_start3A_27 = tpu.memref_slice %arg2[%add3A_24, %dma_start3A_25, %dma_start3A_26] : memref<64x256x256xf32, #tpu.memory_space<hbm>> -> memref<1x256x256xf32, #tpu.memory_space<hbm>>
    %dma_start3A_28 = tpu.memref_squeeze %dma_start3A_27 : memref<1x256x256xf32, #tpu.memory_space<hbm>> -> memref<256x256xf32, #tpu.memory_space<hbm>>
    %dma_start3A_29 = arith.constant 0 : i32
    %dma_start3A_30 = arith.constant 0 : i32
    %dma_start3A_31 = tpu.memref_slice %arg2[%add3A_24, %dma_start3A_29, %dma_start3A_30] : memref<64x256x256xf32, #tpu.memory_space<hbm>> -> memref<1x256x256xf32, #tpu.memory_space<hbm>>
    %dma_start3A_32 = tpu.memref_squeeze %dma_start3A_31 : memref<1x256x256xf32, #tpu.memory_space<hbm>> -> memref<256x256xf32, #tpu.memory_space<hbm>>
    tpu.enqueue_dma source(%dma_start3A_32 : memref<256x256xf32, #tpu.memory_space<hbm>>) target(%arg5 : memref<256x256xf32, #tpu.memory_space<vmem>>) target_semaphore(%arg8 : memref<!tpu.dma_semaphore, #tpu.memory_space<semaphore_mem>>)
    "tpu.region"() ({
      %run_scoped3A = tpu.sem_alloc : memref<!tpu.dma_semaphore, #tpu.memory_space<semaphore_mem>>
      %dma_start3A_44 = arith.constant 0 : i32
      %dma_start3A_45 = tpu.memref_slice %arg3[%add3A_24, %dma_start3A_44] : memref<64x4352xi32, #tpu.memory_space<hbm>> -> memref<1x4352xi32, #tpu.memory_space<hbm>>
      %dma_start3A_46 = tpu.memref_squeeze %dma_start3A_45 : memref<1x4352xi32, #tpu.memory_space<hbm>> -> memref<4352xi32, #tpu.memory_space<hbm>>
      %dma_start3A_47 = arith.constant 0 : i32
      %dma_start3A_48 = tpu.memref_slice %arg3[%add3A_24, %dma_start3A_47] : memref<64x4352xi32, #tpu.memory_space<hbm>> -> memref<1x4352xi32, #tpu.memory_space<hbm>>
      %dma_start3A_49 = tpu.memref_squeeze %dma_start3A_48 : memref<1x4352xi32, #tpu.memory_space<hbm>> -> memref<4352xi32, #tpu.memory_space<hbm>>
      tpu.enqueue_dma source(%dma_start3A_49 : memref<4352xi32, #tpu.memory_space<hbm>>) target(%arg6 : memref<4352xi32, #tpu.memory_space<vmem>>) target_semaphore(%run_scoped3A : memref<!tpu.dma_semaphore, #tpu.memory_space<semaphore_mem>>)
      %dma_wait3A_50 = arith.constant 0 : i32
      %dma_wait3A_51 = tpu.memref_slice %arg3[%add3A_24, %dma_wait3A_50] : memref<64x4352xi32, #tpu.memory_space<hbm>> -> memref<1x4352xi32, #tpu.memory_space<hbm>>
      %dma_wait3A_52 = tpu.memref_squeeze %dma_wait3A_51 : memref<1x4352xi32, #tpu.memory_space<hbm>> -> memref<4352xi32, #tpu.memory_space<hbm>>
      %dma_wait3A_53 = arith.constant 0 : i32
      %dma_wait3A_54 = tpu.memref_slice %arg3[%add3A_24, %dma_wait3A_53] : memref<64x4352xi32, #tpu.memory_space<hbm>> -> memref<1x4352xi32, #tpu.memory_space<hbm>>
      %dma_wait3A_55 = tpu.memref_squeeze %dma_wait3A_54 : memref<1x4352xi32, #tpu.memory_space<hbm>> -> memref<4352xi32, #tpu.memory_space<hbm>>
      tpu.wait_dma2 semaphore(%run_scoped3A : memref<!tpu.dma_semaphore, #tpu.memory_space<semaphore_mem>>) src(%dma_wait3A_55 : memref<4352xi32, #tpu.memory_space<hbm>>) dst(%arg6 : memref<4352xi32, #tpu.memory_space<vmem>>)
      tpu.yield
    }) : () -> ()
    %dma_wait3A_33 = arith.constant 0 : i32
    %dma_wait3A_34 = arith.constant 0 : i32
    %dma_wait3A_35 = tpu.memref_slice %arg2[%add3A_24, %dma_wait3A_33, %dma_wait3A_34] : memref<64x256x256xf32, #tpu.memory_space<hbm>> -> memref<1x256x256xf32, #tpu.memory_space<hbm>>
    %dma_wait3A_36 = tpu.memref_squeeze %dma_wait3A_35 : memref<1x256x256xf32, #tpu.memory_space<hbm>> -> memref<256x256xf32, #tpu.memory_space<hbm>>
    %dma_wait3A_37 = arith.constant 0 : i32
    %dma_wait3A_38 = arith.constant 0 : i32
    %dma_wait3A_39 = tpu.memref_slice %arg2[%add3A_24, %dma_wait3A_37, %dma_wait3A_38] : memref<64x256x256xf32, #tpu.memory_space<hbm>> -> memref<1x256x256xf32, #tpu.memory_space<hbm>>
    %dma_wait3A_40 = tpu.memref_squeeze %dma_wait3A_39 : memref<1x256x256xf32, #tpu.memory_space<hbm>> -> memref<256x256xf32, #tpu.memory_space<hbm>>
    tpu.wait_dma2 semaphore(%arg8 : memref<!tpu.dma_semaphore, #tpu.memory_space<semaphore_mem>>) src(%dma_wait3A_40 : memref<256x256xf32, #tpu.memory_space<hbm>>) dst(%arg5 : memref<256x256xf32, #tpu.memory_space<vmem>>)
    %parallel_loop3A_41 = arith.constant 0 : i32
    %parallel_loop3A_42 = arith.constant 272 : i32
    %parallel_loop3A_43 = arith.constant 1 : i32
    scf.for %parallel_loop3A_44 = %parallel_loop3A_41 to %parallel_loop3A_42 step %parallel_loop3A_43  : i32 {
      %parallel_loop3A_45 = arith.constant 16 : i32
      %parallel_loop3A_46 = arith.muli %parallel_loop3A_44, %parallel_loop3A_45 : i32
      %parallel_loop3A_47 = arith.index_cast %parallel_loop3A_46 : i32 to index
      %parallel_loop3A_48 = tpu.vector_load %arg6[%parallel_loop3A_47] {strides = array<i32>} : memref<4352xi32, #tpu.memory_space<vmem>>, vector<16xi32>,
      %parallel_loop3A_49 = arith.constant 4 : i32
      %parallel_loop3A_50 = arith.shrsi %parallel_loop3A_44, %parallel_loop3A_49 : i32
      %parallel_loop3A_51 = arith.constant 15 : i32
      %parallel_loop3A_52 = arith.andi %parallel_loop3A_44, %parallel_loop3A_51 : i32
      %parallel_loop3A_53 = arith.constant 16 : i32
      %parallel_loop3A_54 = arith.muli %parallel_loop3A_52, %parallel_loop3A_53 : i32
      %parallel_loop3A_55 = arith.constant 8 : i32
      %parallel_loop3A_56 = vector.broadcast %parallel_loop3A_55 : i32 to vector<16xi32>
      %parallel_loop3A_57 = arith.shrsi %parallel_loop3A_48, %parallel_loop3A_56 : vector<16xi32>
      %parallel_loop3A_58 = arith.constant 255 : i32
      %parallel_loop3A_59 = vector.broadcast %parallel_loop3A_58 : i32 to vector<16xi32>
      %parallel_loop3A_60 = arith.andi %parallel_loop3A_48, %parallel_loop3A_59 : vector<16xi32>
      %parallel_loop3A_61 = tpu.vector_load_idx %arg5[%parallel_loop3A_57, %parallel_loop3A_60] : memref<256x256xf32, #tpu.memory_space<vmem>>[vector<16xi32>, vector<16xi32>], vector<16xf32>,
      %parallel_loop3A_62 = arith.index_cast %parallel_loop3A_50 : i32 to index
      %parallel_loop3A_63 = arith.index_cast %parallel_loop3A_54 : i32 to index
      %parallel_loop3A_64 = tpu.vector_load %arg7[%parallel_loop3A_62, %parallel_loop3A_63] {strides = array<i32>} : memref<17x256xf32, #tpu.memory_space<vmem>>, vector<16xf32>,
      tpu.vector_store %arg7[%parallel_loop3A_62, %parallel_loop3A_63], %parallel_loop3A_61 {strides = array<i32>} : memref<17x256xf32, #tpu.memory_space<vmem>>, vector<16xf32>,
    } {sc.loop_unroll_factor = 8 : i64, sc.parallel_access}
    "tpu.region"() ({
      %run_scoped3A = tpu.sem_alloc : memref<!tpu.dma_semaphore, #tpu.memory_space<semaphore_mem>>
      %dma_start3A_44 = arith.constant 0 : i32
      %dma_start3A_45 = arith.constant 0 : i32
      %dma_start3A_46 = tpu.memref_slice %arg4[%add3A_24, %dma_start3A_44, %dma_start3A_45] : memref<64x17x256xf32, #tpu.memory_space<hbm>> -> memref<1x17x256xf32, #tpu.memory_space<hbm>>
      %dma_start3A_47 = tpu.memref_squeeze %dma_start3A_46 : memref<1x17x256xf32, #tpu.memory_space<hbm>> -> memref<17x256xf32, #tpu.memory_space<hbm>>
      %dma_start3A_48 = arith.constant 0 : i32
      %dma_start3A_49 = arith.constant 0 : i32
      %dma_start3A_50 = tpu.memref_slice %arg4[%add3A_24, %dma_start3A_48, %dma_start3A_49] : memref<64x17x256xf32, #tpu.memory_space<hbm>> -> memref<1x17x256xf32, #tpu.memory_space<hbm>>
      %dma_start3A_51 = tpu.memref_squeeze %dma_start3A_50 : memref<1x17x256xf32, #tpu.memory_space<hbm>> -> memref<17x256xf32, #tpu.memory_space<hbm>>
      tpu.enqueue_dma source(%arg7 : memref<17x256xf32, #tpu.memory_space<vmem>>) target(%dma_start3A_51 : memref<17x256xf32, #tpu.memory_space<hbm>>) target_semaphore(%run_scoped3A : memref<!tpu.dma_semaphore, #tpu.memory_space<semaphore_mem>>)
      %dma_wait3A_52 = arith.constant 0 : i32
      %dma_wait3A_53 = arith.constant 0 : i32
      %dma_wait3A_54 = tpu.memref_slice %arg4[%add3A_24, %dma_wait3A_52, %dma_wait3A_53] : memref<64x17x256xf32, #tpu.memory_space<hbm>> -> memref<1x17x256xf32, #tpu.memory_space<hbm>>
      %dma_wait3A_55 = tpu.memref_squeeze %dma_wait3A_54 : memref<1x17x256xf32, #tpu.memory_space<hbm>> -> memref<17x256xf32, #tpu.memory_space<hbm>>
      %dma_wait3A_56 = arith.constant 0 : i32
      %dma_wait3A_57 = arith.constant 0 : i32
      %dma_wait3A_58 = tpu.memref_slice %arg4[%add3A_24, %dma_wait3A_56, %dma_wait3A_57] : memref<64x17x256xf32, #tpu.memory_space<hbm>> -> memref<1x17x256xf32, #tpu.memory_space<hbm>>
      %dma_wait3A_59 = tpu.memref_squeeze %dma_wait3A_58 : memref<1x17x256xf32, #tpu.memory_space<hbm>> -> memref<17x256xf32, #tpu.memory_space<hbm>>
      tpu.wait_dma2 semaphore(%run_scoped3A : memref<!tpu.dma_semaphore, #tpu.memory_space<semaphore_mem>>) src(%arg7 : memref<17x256xf32, #tpu.memory_space<vmem>>) dst(%dma_wait3A_59 : memref<17x256xf32, #tpu.memory_space<hbm>>)
      tpu.yield
    }) : () -> ()
    return
  }
}

module attributes {stable_mosaic.version = 14 : i64} {
  func.func @_tc_body(%arg0: i32, %arg1: memref<32x17x256xf32, #tpu.memory_space<vmem>>, %arg2: memref<32x17x256xf32, #tpu.memory_space<vmem>>, %arg3: memref<1x1xf32, #tpu.memory_space<smem>>, %arg4: memref<1x1xf32, #tpu.memory_space<smem>>) attributes {dimension_semantics = [#tpu.dimension_semantics<arbitrary>], iteration_bounds = array<i64: 2>, scalar_prefetch = 0 : i64, scratch_operands = 0 : i64, tpu.core_type = #tpu.core_type<tc>, window_params = [{transform_indices = @transform_0, window_bounds = array<i64: 32, 17, 256>}, {transform_indices = @transform_1, window_bounds = array<i64: 32, 17, 256>}, {transform_indices = @transform_2, window_bounds = array<i64: 1, 1>}, {transform_indices = @transform_3, window_bounds = array<i64: 1, 1>}]} {
    %get3A = arith.constant 0 : index
    %get3A_0 = arith.constant 0 : index
    %get3A_1 = arith.constant 0 : index
    %get3A_2 = vector.load %arg1[%get3A, %get3A_0, %get3A_1] : memref<32x17x256xf32, #tpu.memory_space<vmem>>, vector<32x17x256xf32>
    %get3A_3 = arith.constant 0 : index
    %get3A_4 = arith.constant 0 : index
    %get3A_5 = arith.constant 0 : index
    %get3A_6 = vector.load %arg2[%get3A_3, %get3A_4, %get3A_5] : memref<32x17x256xf32, #tpu.memory_space<vmem>>, vector<32x17x256xf32>
    %reduce_sum3A = arith.constant dense<0.000000e+00> : vector<32x256xf32>
    %reduce_sum3A_7 = vector.multi_reduction <add>, %get3A_6, %reduce_sum3A [1] : vector<32x17x256xf32> to vector<32x256xf32>
    %broadcast_in_dim3A = vector.shape_cast %reduce_sum3A_7 : vector<32x256xf32> to vector<32x1x256xf32>
    %mul3A = arith.mulf %get3A_2, %get3A_6 : vector<32x17x256xf32>
    %reduce_sum3A_8 = arith.constant dense<0.000000e+00> : vector<32x256xf32>
    %reduce_sum3A_9 = vector.multi_reduction <add>, %mul3A, %reduce_sum3A_8 [1] : vector<32x17x256xf32> to vector<32x256xf32>
    %broadcast_in_dim3A_10 = vector.shape_cast %reduce_sum3A_9 : vector<32x256xf32> to vector<32x1x256xf32>
    %add3A = arith.constant 9.99999974E-5 : f32
    %add3A_11 = vector.broadcast %add3A : f32 to vector<32x1x256xf32>
    %add3A_12 = arith.addf %broadcast_in_dim3A, %add3A_11 : vector<32x1x256xf32>
    %div3A = arith.divf %broadcast_in_dim3A_10, %add3A_12 : vector<32x1x256xf32>
    %ne3A = arith.constant 0.000000e+00 : f32
    %ne3A_13 = vector.broadcast %ne3A : f32 to vector<32x1x256xf32>
    %ne3A_14 = arith.cmpf one, %broadcast_in_dim3A, %ne3A_13 : vector<32x1x256xf32>
    %convert_element_type3A = arith.extui %ne3A_14 : vector<32x1x256xi1> to vector<32x1x256xi32>
    %convert_element_type3A_15 = arith.sitofp %convert_element_type3A : vector<32x1x256xi32> to vector<32x1x256xf32>
    %reduce_sum3A_16 = arith.constant dense<0.000000e+00> : vector<32x1xf32>
    %reduce_sum3A_17 = vector.multi_reduction <add>, %convert_element_type3A_15, %reduce_sum3A_16 [2] : vector<32x1x256xf32> to vector<32x1xf32>
    %broadcast_in_dim3A_18 = vector.shape_cast %reduce_sum3A_17 : vector<32x1xf32> to vector<32x1x1xf32>
    %sub3A = vector.broadcast %div3A : vector<32x1x256xf32> to vector<32x17x256xf32>
    %sub3A_19 = arith.subf %get3A_2, %sub3A : vector<32x17x256xf32>
    %integer_pow3A = arith.mulf %sub3A_19, %sub3A_19 : vector<32x17x256xf32>
    %mul3A_20 = arith.mulf %integer_pow3A, %get3A_6 : vector<32x17x256xf32>
    %reduce_sum3A_21 = arith.constant dense<0.000000e+00> : vector<32xf32>
    %reduce_sum3A_22 = vector.multi_reduction <add>, %mul3A_20, %reduce_sum3A_21 [1, 2] : vector<32x17x256xf32> to vector<32xf32>
    %broadcast_in_dim3A_23 = vector.shape_cast %reduce_sum3A_22 : vector<32xf32> to vector<32x1x1xf32>
    %add3A_24 = arith.constant 9.99999974E-5 : f32
    %add3A_25 = vector.broadcast %add3A_24 : f32 to vector<32x1x1xf32>
    %add3A_26 = arith.addf %broadcast_in_dim3A_18, %add3A_25 : vector<32x1x1xf32>
    %div3A_27 = arith.divf %broadcast_in_dim3A_23, %add3A_26 : vector<32x1x1xf32>
    %iota3A = tpu.iota {dimensions = array<i32: 2>} : vector<32x1x256xi32>
    %convert_element_type3A_28 = arith.sitofp %iota3A : vector<32x1x256xi32> to vector<32x1x256xf32>
    %mul3A_29 = arith.constant 2.000000e+00 : f32
    %mul3A_30 = vector.broadcast %mul3A_29 : f32 to vector<32x1x256xf32>
    %mul3A_31 = arith.mulf %mul3A_30, %convert_element_type3A_28 : vector<32x1x256xf32>
    %add3A_32 = arith.constant 1.000000e+02 : f32
    %add3A_33 = vector.broadcast %add3A_32 : f32 to vector<32x1x256xf32>
    %add3A_34 = arith.addf %add3A_33, %mul3A_31 : vector<32x1x256xf32>
    %select_n3A = arith.select %ne3A_14, %div3A, %add3A_34 : vector<32x1x256xi1>, vector<32x1x256xf32>
    %broadcast_in_dim3A_35 = arith.constant 1.000000e+00 : f32
    %broadcast_in_dim3A_36 = vector.broadcast %broadcast_in_dim3A_35 : f32 to vector<32x1x256xf32>
    %dot_general3A = arith.constant dense<0.000000e+00> : vector<32x256x256xf32>
    %dot_general3A_37 = tpu.matmul %select_n3A, %broadcast_in_dim3A_36, %dot_general3A {dimension_numbers = #tpu.dot_dimension_numbers<[1], [1], [2], [2], [0, 0, 0, 2, 1, 2], [0], [0]>, transpose_lhs_hint = false} : vector<32x1x256xf32>, vector<32x1x256xf32>, vector<32x256x256xf32> -> vector<32x256x256xf32>
    %broadcast_in_dim3A_38 = vector.shape_cast %select_n3A : vector<32x1x256xf32> to vector<32x1x256xf32>
    %broadcast_in_dim3A_39 = vector.broadcast %broadcast_in_dim3A_38 : vector<32x1x256xf32> to vector<32x256x256xf32>
    %sub3A_40 = arith.subf %dot_general3A_37, %broadcast_in_dim3A_39 : vector<32x256x256xf32>
    %abs3A = math.absf %sub3A_40 : vector<32x256x256xf32>
    %sub3A_41 = arith.constant 1.000000e+00 : f32
    %sub3A_42 = vector.broadcast %sub3A_41 : f32 to vector<32x256x256xf32>
    %sub3A_43 = arith.subf %sub3A_42, %abs3A : vector<32x256x256xf32>
    %max3A = arith.constant 0.000000e+00 : f32
    %max3A_44 = vector.broadcast %max3A : f32 to vector<32x256x256xf32>
    %max3A_45 = arith.maximumf %sub3A_43, %max3A_44 : vector<32x256x256xf32>
    %reduce_sum3A_46 = arith.constant dense<0.000000e+00> : vector<32xf32>
    %reduce_sum3A_47 = vector.multi_reduction <add>, %max3A_45, %reduce_sum3A_46 [1, 2] : vector<32x256x256xf32> to vector<32xf32>
    %broadcast_in_dim3A_48 = vector.shape_cast %reduce_sum3A_47 : vector<32xf32> to vector<32x1x1xf32>
    %sub3A_49 = arith.constant 2.560000e+02 : f32
    %sub3A_50 = vector.broadcast %sub3A_49 : f32 to vector<32x1x1xf32>
    %sub3A_51 = arith.subf %broadcast_in_dim3A_48, %sub3A_50 : vector<32x1x1xf32>
    %sub3A_52 = arith.constant 1.000000e+00 : f32
    %sub3A_53 = vector.broadcast %sub3A_52 : f32 to vector<32x1x1xf32>
    %sub3A_54 = arith.subf %broadcast_in_dim3A_18, %sub3A_53 : vector<32x1x1xf32>
    %mul3A_55 = arith.mulf %broadcast_in_dim3A_18, %sub3A_54 : vector<32x1x1xf32>
    %add3A_56 = arith.constant 9.99999974E-5 : f32
    %add3A_57 = vector.broadcast %add3A_56 : f32 to vector<32x1x1xf32>
    %add3A_58 = arith.addf %mul3A_55, %add3A_57 : vector<32x1x1xf32>
    %div3A_59 = arith.divf %sub3A_51, %add3A_58 : vector<32x1x1xf32>
    %reduce_sum3A_60 = vector.shape_cast %div3A_27 : vector<32x1x1xf32> to vector<1x32x1x1xf32>
    %reduce_sum3A_61 = arith.constant dense<0.000000e+00> : vector<1xf32>
    %reduce_sum3A_62 = vector.multi_reduction <add>, %reduce_sum3A_60, %reduce_sum3A_61 [1, 2, 3] : vector<1x32x1x1xf32> to vector<1xf32>
    %reduce_sum3A_63 = vector.shape_cast %reduce_sum3A_62 : vector<1xf32> to vector<1x1x1x1xf32>
    %reduce_sum3A_64 = vector.extract %reduce_sum3A_63[0, 0, 0, 0] : f32 from vector<1x1x1x1xf32>
    %div3A_65 = arith.constant 6.400000e+01 : f32
    %div3A_66 = arith.divf %reduce_sum3A_64, %div3A_65 : f32
    %reduce_sum3A_67 = vector.shape_cast %div3A_59 : vector<32x1x1xf32> to vector<1x32x1x1xf32>
    %reduce_sum3A_68 = arith.constant dense<0.000000e+00> : vector<1xf32>
    %reduce_sum3A_69 = vector.multi_reduction <add>, %reduce_sum3A_67, %reduce_sum3A_68 [1, 2, 3] : vector<1x32x1x1xf32> to vector<1xf32>
    %reduce_sum3A_70 = vector.shape_cast %reduce_sum3A_69 : vector<1xf32> to vector<1x1x1x1xf32>
    %reduce_sum3A_71 = vector.extract %reduce_sum3A_70[0, 0, 0, 0] : f32 from vector<1x1x1x1xf32>
    %div3A_72 = arith.constant 6.400000e+01 : f32
    %div3A_73 = arith.divf %reduce_sum3A_71, %div3A_72 : f32
    %eq3A = arith.constant 0 : i32
    %eq3A_74 = arith.cmpi eq, %arg0, %eq3A : i32
    %convert_element_type3A_75 = arith.extui %eq3A_74 : i1 to i32
    %cond3A = arith.constant 0 : i32
    %cond3A_76 = arith.cmpi ne, %convert_element_type3A_75, %cond3A : i32
    scf.if %cond3A_76 {
      %swap3A_90 = arith.constant 0.000000e+00 : f32
      %swap3A_91 = arith.constant 0 : index
      %swap3A_92 = arith.constant 0 : index
      %swap3A_93 = memref.load %arg3[%swap3A_91, %swap3A_92] : memref<1x1xf32, #tpu.memory_space<smem>>
      memref.store %swap3A_90, %arg3[%swap3A_91, %swap3A_92] : memref<1x1xf32, #tpu.memory_space<smem>>
      %swap3A_94 = arith.constant 0.000000e+00 : f32
      %swap3A_95 = arith.constant 0 : index
      %swap3A_96 = arith.constant 0 : index
      %swap3A_97 = memref.load %arg4[%swap3A_95, %swap3A_96] : memref<1x1xf32, #tpu.memory_space<smem>>
      memref.store %swap3A_94, %arg4[%swap3A_95, %swap3A_96] : memref<1x1xf32, #tpu.memory_space<smem>>
    } else {
    }
    %get3A_77 = arith.constant 0 : index
    %get3A_78 = arith.constant 0 : index
    %get3A_79 = memref.load %arg3[%get3A_77, %get3A_78] : memref<1x1xf32, #tpu.memory_space<smem>>
    %add3A_80 = arith.addf %get3A_79, %div3A_66 : f32
    %swap3A = arith.constant 0 : index
    %swap3A_81 = arith.constant 0 : index
    %swap3A_82 = memref.load %arg3[%swap3A, %swap3A_81] : memref<1x1xf32, #tpu.memory_space<smem>>
    memref.store %add3A_80, %arg3[%swap3A, %swap3A_81] : memref<1x1xf32, #tpu.memory_space<smem>>
    %get3A_83 = arith.constant 0 : index
    %get3A_84 = arith.constant 0 : index
    %get3A_85 = memref.load %arg4[%get3A_83, %get3A_84] : memref<1x1xf32, #tpu.memory_space<smem>>
    %add3A_86 = arith.addf %get3A_85, %div3A_73 : f32
    %swap3A_87 = arith.constant 0 : index
    %swap3A_88 = arith.constant 0 : index
    %swap3A_89 = memref.load %arg4[%swap3A_87, %swap3A_88] : memref<1x1xf32, #tpu.memory_space<smem>>
    memref.store %add3A_86, %arg4[%swap3A_87, %swap3A_88] : memref<1x1xf32, #tpu.memory_space<smem>>
    return
  }
  func.func @transform_0(%arg0: i32) -> (i32, i32, i32) {
    %c0_i32 = arith.constant 0 : i32
    %c0_i32_0 = arith.constant 0 : i32
    %c0_i32_1 = arith.constant 0 : i32
    return %arg0, %c0_i32, %c0_i32_0 : i32, i32, i32
  }
  func.func @transform_1(%arg0: i32) -> (i32, i32, i32) {
    %c0_i32 = arith.constant 0 : i32
    %c0_i32_0 = arith.constant 0 : i32
    %c0_i32_1 = arith.constant 0 : i32
    return %arg0, %c0_i32, %c0_i32_0 : i32, i32, i32
  }
  func.func @transform_2(%arg0: i32) -> (i32, i32) {
    %c0_i32 = arith.constant 0 : i32
    %c0_i32_0 = arith.constant 0 : i32
    %c0_i32_1 = arith.constant 0 : i32
    return %c0_i32, %c0_i32_0 : i32, i32
  }
  func.func @transform_3(%arg0: i32) -> (i32, i32) {
    %c0_i32 = arith.constant 0 : i32
    %c0_i32_0 = arith.constant 0 : i32
    %c0_i32_1 = arith.constant 0 : i32
    return %c0_i32, %c0_i32_0 : i32, i32
  }
}

</mosaic_0001>

<sc_bundles>
// kernel: kernel.4.cloned.1.call-start
scs
__scs_entry_jumppad:
0x0: {  	(pc) =	sbr.rel $0x88, $3  }
0x1: {  	(tag) =	ssettag $0x0;
	lr =	simm.s32 $0x1  }
0x2: {  	[smem:$0x3F9E] =	sst lr;
	_ =	strace $0xD0000000  }
0x3: {  	_ = 	snop  }
0x4: {  	_ = 	snop  }
0x5: {  	_ = 	snop  }
0x6: {  	_ = 	snop  }
0x7: {  	_ = 	snop  }
__scs_overlays_trampoline_lowered:
0x8: {  	[smem:$0x3FAD] =	sst s0  }
0x9: {  	[smem:$0x3FAE] =	sst s1  }
0xa: {  	[smem:$0x3FAF] =	sst s2  }
0xb: {  	[smem:$0x3FB0] =	sst s3  }
0xc: {  	[smem:$0x3FB1] =	sst s4  }
0xd: {  	[smem:$0x3FB2] =	sst s5  }
0xe: {  	[smem:$0x3FB3] =	sst s6  }
0xf: {  	[smem:$0x3FB4] =	sst s7  }
0x10: {  	[smem:$0x3FB5] =	sst s8  }
0x11: {  	[smem:$0x3FB6] =	sst s9;
	s0 =	simm.s32 @!p0 $0x0  }
0x12: {  	s1 =	sld [smem:$0x3F9C];
	s0 =	simm.s32 @p0 $0x1  }
0x13: {  	[smem:$0x3FB7] =	sst s0;
	s0 =	simm.s32 @!p1 $0x0  }
0x14: {  	s2 =	sld [smem:$0x3F9B];
	s0 =	simm.s32 @p1 $0x1  }
0x15: {  	[smem:$0x3FB8] =	sst s0;
	s0 =	simm.s32 @!p2 $0x0  }
0x16: {  	s3 =	sld [smem:$0x3FDB];
	s0 =	simm.s32 @p2 $0x1  }
0x17: {  	s4 =	simm.s32 $0x1BF5;
	[smem:$0x3FBA] =	sst s0  }
0x18: {  	s0 =	sld [smem:$0x3F9D];
	_ =	swait.ge [sflag:s4], $0x0  }
0x19: {  	s7 =	sld [smem:$0x3F9E]  }
0x1a: {  	s8 =	sadd.s32 $0xFFFFE003, lr  }
0x1b: {  	s9 =	sadd.s32 $0xFFFFFEF7, lr;
	s5 =	simm.s32 $0xFFFFFFFF;
	p2 =	slt.u32 s8, $0xFFFFF086  }
0x1c: {  	p1 =	slt.u32 s9, $0xF7A;
	s5 =	simm.s32 @!p2 $0x0  }
0x1d: {  	s5 =	simm.s32 @p1 $0x1;
	p0 =	seq.s32 s7, s2  }
0x1e: {  	s7 =	smul.u32 @!p0 $0xF7A, s2;
	p2 =	seq.s32 @!p0 s5, $0x0  }
0x1f: {  	s9 =	smul.u32 $0xF7A, s1;
	s8 =	simm.s32 @!p0 $0x1BF5;
	p2 =	por !p2, p0  }
0x20: {  	[sflag:s8] =	ssyncset.s32 @!p0 $0xFFFFF086;
	s6 =	sadd.s32 @!p0 s3, s7;
	s7 =	simm.s32 @!p0 $0x108  }
0x21: {  	s3 =	sadd.s32 s3, s9;
	s6 =	sadd.s32 @!p0 $0x88, s6;
	s7 =	simm.s32 @p2 $0x1082  }
0x22: {  	[simem:s7], [sflag:s8] =	dma.local @!p0 [hbm:s6], $0xF7A  }
0x23: {  	s9 =	sor.u32 $0xD0000000, s2;
	s6 =	simm.s32 $0x108;
	_ =	swait.ge @!p0 [sflag:s8], $0x0  }
0x24: {  	s3 =	sadd.s32 $0x88, s3;
	s6 =	simm.s32 @!p1 $0x1082;
	[sflag:s4] =	ssyncset.s32 $0xFFFFF086  }
0x25: {  	[simem:s6], [sflag:s4] =	dma.local [hbm:s3], $0xF7A  }
0x26: {  	[smem:$0x3F9E] =	sst s1;
	(tag) =	ssettag s2;
	_ =	strace s9  }
0x27: {  	s1 =	sld [smem:$0x3FAE]  }
0x28: {  	s2 =	sld [smem:$0x3FAF]  }
0x29: {  	s4 =	sld [smem:$0x3FB1]  }
0x2a: {  	p0 =	seq.s32 s5, $0x0;
	s5 =	sld [smem:$0x3FB2]  }
0x2b: {  	s6 =	sld [smem:$0x3FB3]  }
0x2c: {  	s7 =	sld [smem:$0x3FB4]  }
0x2d: {  	s3 =	simm.s32 $0x108;
	s8 =	sld [smem:$0x3FB5]  }
0x2e: {  	s3 =	simm.s32 @!p0 $0x1082;
	s9 =	sld [smem:$0x3FB6]  }
0x2f: {  	lr =	sadd.s32 s0, s3;
	s0 =	sld [smem:$0x3FAD]  }
0x30: {  	s3 =	sld [smem:$0x3FB0]  }
0x31: {  	[smem:$0x3FB9] =	sst s10  }
0x32: {  	s10 =	sld [smem:$0x3FB7];
	_ =	sdelay $0x3  }
0x33: {  	p0 =	seq.s32 s10, $0x1;
	s10 =	sld [smem:$0x3FB9];
	_ =	sdelay $0x3  }
0x34: {  	[smem:$0x3FB9] =	sst s10  }
0x35: {  	s10 =	sld [smem:$0x3FB8];
	_ =	sdelay $0x3  }
0x36: {  	p1 =	seq.s32 s10, $0x1;
	s10 =	sld [smem:$0x3FB9];
	_ =	sdelay $0x3  }
0x37: {  	[smem:$0x3FB9] =	sst s10  }
0x38: {  	s10 =	sld [smem:$0x3FBA]  }
0x39: {  	_ = 	snop;
	(pc) =	sbr.ind lr, $3  }
0x3a: {  	_ = 	snop  }
0x3b: {  	_ = 	snop  }
0x3c: {  	p2 =	seq.s32 s10, $0x1;
	s10 =	sld [smem:$0x3FB9]  }
0x3d: {  	_ =	shalt  }
0x3e: {  	_ =	shalt  }
0x3f: {  	_ =	shalt  }
0x40: {  	_ =	shalt  }
0x41: {  	_ =	shalt  }
0x42: {  	_ =	shalt  }
0x43: {  	_ =	shalt  }
0x44: {  	_ =	shalt  }
0x45: {  	_ =	shalt  }
0x46: {  	_ =	shalt  }
0x47: {  	_ =	shalt  }
0x48: {  	_ =	shalt  }
0x49: {  	_ =	shalt  }
0x4a: {  	_ =	shalt  }
0x4b: {  	_ =	shalt  }
0x4c: {  	_ =	shalt  }
0x4d: {  	_ =	shalt  }
0x4e: {  	_ =	shalt  }
0x4f: {  	_ =	shalt  }
0x50: {  	_ =	shalt  }
0x51: {  	_ =	shalt  }
0x52: {  	_ =	shalt  }
0x53: {  	_ =	shalt  }
0x54: {  	_ =	shalt  }
0x55: {  	_ =	shalt  }
0x56: {  	_ =	shalt  }
0x57: {  	_ =	shalt  }
0x58: {  	_ =	shalt  }
0x59: {  	_ =	shalt  }
0x5a: {  	_ =	shalt  }
0x5b: {  	_ =	shalt  }
0x5c: {  	_ =	shalt  }
0x5d: {  	_ =	shalt  }
0x5e: {  	_ =	shalt  }
0x5f: {  	_ =	shalt  }
0x60: {  	_ =	shalt  }
0x61: {  	_ =	shalt  }
0x62: {  	_ =	shalt  }
0x63: {  	_ =	shalt  }
0x64: {  	_ =	shalt  }
0x65: {  	_ =	shalt  }
0x66: {  	_ =	shalt  }
0x67: {  	_ =	shalt  }
0x68: {  	_ =	shalt  }
0x69: {  	_ =	shalt  }
0x6a: {  	_ =	shalt  }
0x6b: {  	_ =	shalt  }
0x6c: {  	_ =	shalt  }
0x6d: {  	_ =	shalt  }
0x6e: {  	_ =	shalt  }
0x6f: {  	_ =	shalt  }
0x70: {  	_ =	shalt  }
0x71: {  	_ =	shalt  }
0x72: {  	_ =	shalt  }
0x73: {  	_ =	shalt  }
0x74: {  	_ =	shalt  }
0x75: {  	_ =	shalt  }
0x76: {  	_ =	shalt  }
0x77: {  	_ =	shalt  }
0x78: {  	_ =	shalt  }
0x79: {  	_ =	shalt  }
0x7a: {  	_ =	shalt  }
0x7b: {  	_ =	shalt  }
0x7c: {  	_ =	shalt  }
0x7d: {  	_ =	shalt  }
0x7e: {  	_ =	shalt  }
0x7f: {  	_ =	shalt  }
0x80: {  	_ =	shalt  }
0x81: {  	_ =	shalt  }
0x82: {  	_ =	shalt  }
0x83: {  	_ =	shalt  }
0x84: {  	_ =	shalt  }
0x85: {  	_ =	shalt  }
0x86: {  	_ =	shalt  }
0x87: {  	_ =	shalt  }
.Lfunc_end0:
.L_simem_size_0:
called_computation_lowered:
.L_overlay_start_0:
0x88: {  	s2 =	sld [smem:$0x3FD9]  }
0x89: {  	s3 =	sld [smem:$0x3FFE];
	_ =	sdelay $0x1  }
0x8a: {  	s1 =	srdreg.scid  }
0x8b: {  	s0 =	sand.u32 $0x1, s1  }
0x8c: {  	s17 =	sshll.u32 s0, $0xA;
	s2 =	sadd.s32 s3, s2  }
0x8d: {  	s2 =	sadd.s32 s2, s17  }
0x8e: {  	[smem:$0x3FC5] =	sst s2  }
0x8f: {  	_ = 	snop  }
0x90: {  	s2 =	sld [smem:$0x3FC9];
	(tm) =	ssettm $0x1  }
0x91: {  	s18 =	sld [smem:$0x3FFB];
	_ =	sdelay $0x3  }
0x92: {  	_ =	strace s18  }
0x93: {  	s3 =	sld [smem:$0x3FFC];
	_ =	sdelay $0x3  }
0x94: {  	_ =	strace s3  }
0x95: {  	s3 =	sld [smem:$0x3FFD];
	_ =	sdelay $0x3  }
0x96: {  	_ =	strace s3  }
0x97: {  	_ =	strace $0x8FFFFFFF  }
0x98: {  	s19 =	sld [smem:$0x3FDB];
	_ =	sdelay $0x1  }
0x99: {  	s4 =	simm.s32 $_scs_section_size  }
0x9a: {  	s5 =	simm.s32 $_size__tile_overlayer_lowered;
	s6 =	simm.s32 $_tile_overlayer_lowered  }
0x9b: {  	s22 =	simm.s32 $0x1BFF;
	s21 =	sshll.u32 s6, $0x1;
	s3 =	sadd.s32 s4, s19  }
0x9c: {  	s7 =	simm.s32 $0x0;
	s20 =	sshll.u32 s5, $0x1;
	s5 =	sadd.s32 s21, s3  }
0x9d: {  	[timem:s7], [sflag:s22] =	dma.local [hbm:s5], s20  }
0x9e: {  	_ =	swait.ge [sflag:s22], s20  }
0x9f: {  	s4 =	ssub.s32 $0x0, s20;
	[sflag:s22] =	ssyncset.done $0x0  }
0xa0: {  	[sflag:s22] =	ssyncadd.s32 s4;
	_ =	sdelay $0x1  }
0xa1: {  	s23 =	simm.s32 $0x1B8B  }
0xa2: {  	_ =	swait.ge [sflag:s23], $0x1  }
0xa3: {  	[sflag:s23] =	ssyncset.done $0x0  }
0xa4: {  	s25 =	simm.s32 $0x1B8E;
	s24 =	sld [smem:$0x3FFE];
	[sflag:s23] =	ssyncadd.s32 $0xFFFFFFFF  }
0xa5: {  	s26 =	simm.s32 $execute0_lowered;
	[smem:$0x3FD2] =	sst s25  }
0xa6: {  	s5 =	sshll.u32 s26, $0x1;
	_ =	strace $0x80000046;
	[dreg:$0x1] =	wrdreg $0xFFFFFFFF  }
0xa7: {  	s28 =	simm.s32 $_size_execute0_lowered;
	s3 =	sadd.s32 s3, s5;
	[dreg:$0x0] =	wrdreg $0x0  }
0xa8: {  	s5 =	sshll.u32 s28, $0x1;
	[dreg:$0x2] =	wrdreg s3  }
0xa9: {  	[dreg:$0x3] =	wrdreg s5  }
0xaa: {  	[dreg:$0x4] =	wrdreg $0xC0  }
0xab: {  	_ =	task [dreg:s7], $0x5FFFF  }
0xac: {  	[dreg:$0x1] =	wrdreg $0xFFFFFFFF  }
0xad: {  	[dreg:$0x0] =	wrdreg $0x60  }
0xae: {  	[dreg:$0x2] =	wrdreg s2  }
0xaf: {  	[dreg:$0x3] =	wrdreg s24  }
0xb0: {  	[dreg:$0x4] =	wrdreg $0x9  }
0xb1: {  	_ =	task.clear_ibuf [dreg:s7], $0x5FFFF;
	_ =	strace $0x90000046  }
0xb2: {  	s29 =	simm.s32 $0x9;
	_ =	strace $0x80000048  }
0xb3: {  	_ =	swait.ge [sflag:s29], $0x1  }
0xb4: {  	[sflag:s29] =	ssyncadd.s32 $0xFFFFFFFF  }
0xb5: {  	_ =	strace $0x90000048  }
0xb6: {  	_ =	sfence  }
0xb7: {  	s30 =	sld [smem:$0x0];
	_ =	sdelay $0x2  }
0xb8: {  	s31 =	sshll.u32 s1, $0xD;
	s1 =	sshrl.u32 s1, $0x2  }
0xb9: {  	s3 =	sand.u32 $0x4000, s31;
	s1 =	sadd.s32 s1, s30  }
0xba: {  	s0 =	sor.u32 s3, s0;
	s1 =	sshll.u32 s1, $0x11  }
0xbb: {  	s0 =	sor.u32 s1, s0  }
0xbc: {  	s0 =	sadd.s32 $0x8F2B, s0  }
0xbd: {  	[sflag:s0] =	ssyncadd.remote.s32 $0x1  }
0xbe: {  	_ =	sfence.sel $0xFFFF  }
0xbf: {  	[dreg:$0x0] =	wrdreg $0xFFFFFFFF;
	(pc) =	sbr.abs _section_cstart, $3  }
0xc0: {  	[dreg:$0x1] =	wrdreg $0xFFFFFFFF  }
0xc1: {  	_ =	task.clear_ibuf [dreg:s7], $0x2FFFF;
	_ =	strace $0x9FFFFFFF  }
0xc2: {  	(tm) =	ssettm $0x7FFFFFFF  }
0xc3: {  	_ =	shalt  }
tec
execute0_lowered:
.L_overlay_start_1:
0x0: {  	(tag) =	ssettag $0x1  }
0x1: {  	s6 =	rddreg [dreg:$0x0]  }
0x2: {  	s3 =	rddreg [dreg:$0x1]  }
0x3: {  	s0 =	rddreg [dreg:$0x2];
	s1 =	simm.s32 $0x0  }
0x4: {  	s4 =	srdreg.scid;
	s2 =	stileid.u32;
	s14 =	simm.s32 $0x1  }
0x5: {  	s15 =	simm.s32 $0x11100;
	s16 =	simm.s32 $0x0;
	[smem:$0x7FF] =	sst s1  }
0x6: {  	s7 =	sadd.s32 $0xA00, s3;
	s4 =	sand.u32 $0x1, s4;
	s8 =	sadd.s32 $0x9200, s3  }
0x7: {  	s24 =	sshll.u32 s2, $0x2;
	s25 =	sshrl.u32 s2, $0x1;
	s5 =	sshll.u32 s4, $0x1  }
0x8: {  	_ =	strace $0x80000047;
	s4 =	ssub.s32 $0x2, s4;
	s5 =	sor.u32 s5, s24  }
0x9: {  	s10 =	smul.u32 $0x8800, s25;
	s9 =	sshrl.u32 s4, $0x1;
	s26 =	sshll.u32 s5, $0x7  }
0xa: {  	s9 =	ssub.s32 s4, s9;
	s11 =	sor.u32 $0x1, s5;
	s28 =	sshll.u32 s5, $0xD  }
0xb: {  	s5 =	smul.u32 $0x300, s5;
	s3 =	sand.u32 $0x300, s26;
	s13 =	sshll.u32 s11, $0x7  }
0xc: {  	s31 =	sshll.u32 s11, $0xD;
	s11 =	smul.u32 $0x300, s11;
	s9 =	smax.u32 s9, $0x1  }
0xd: {  	s12 =	sor.u32 s10, s3;
	s3 =	sadd.s32 s6, s28;
	s30 =	sand.u32 $0x380, s13  }
0xe: {  	s5 =	sadd.s32 s8, s5;
	s6 =	sadd.s32 s6, s31;
	s13 =	simm.s32 $0x2  }
0xf: {  	s29 =	sshrl.u32 s12, $0x3;
	s10 =	sor.u32 s10, s30;
	s8 =	sadd.s32 s8, s11  }
0x10: {  	s11 =	simm.s32 $0x400;
	s12 =	simm.s32 $0x10000;
	s10 =	sshrl.u32 s10, $0x3  }
0x11: {  	s4 =	sadd.s32 s7, s29;
	s7 =	sadd.s32 s7, s10;
	s10 =	simm.s32 $0x80  }
.LBB2_1:
0x12: {  	[tilespmem:s1], [sflag:$0x1] =	stream.linear.gather [hbm4b:s3+s1], $0x10000, $0x38;
	[tilespmem:$0x12900] =	vst v63  }
0x13: {  	_ = 	snop  }
0x14: {  	[tilespmem:s12], [sflag:$0x2] =	stream.strided.gather [hbm4b:s4+s10], $0x1100, s11, s10, $0x38;
	[tilespmem:$0x12900] =	vst v63  }
0x15: {  	_ =	swait.ge [sflag:s13], $0x1100  }
0x16: {  	[sflag:s13] =	ssyncset.done $0x0  }
0x17: {  	[sflag:s13] =	ssyncadd.s32 $0xFFFFEF00  }
0x18: {  	_ =	swait.ge [sflag:s14], $0x10000  }
0x19: {  	[sflag:s14] =	ssyncset.done $0x0  }
0x1a: {  	s17 =	simm.s32 $0x10040;
	[sflag:s14] =	ssyncadd.s32 $0xFFFF0000  }
0x1b: {  	v0 =	vld [tilespmem:s17+$0xFFFFFFD0]  }
0x1c: {  	v1 =	vld [tilespmem:s17+$0x30]  }
0x1d: {  	v2 =	vld [tilespmem:s17+$0xFFFFFFE0]  }
0x1e: {  	v3 =	vld [tilespmem:s17+$0xFFFFFFC0]  }
0x1f: {  	v4 =	vld [tilespmem:s17+$0x20]  }
0x20: {  	s18 =	simm.s32 $0x100C0;
	v10 =	vld [tilespmem:s17+$0x10]  }
0x21: {  	v18 =	vld [tilespmem:s18+$0x10]  }
0x22: {  	v5 =	vshrl.u32 v0, $0x1  }
0x23: {  	v6 =	vshll.u32 v0, $0x3;
	v0 =	vand.u32 $0xFFFFF87F, v0;
	v7 =	vshrl.u32 v1, $0x1  }
0x24: {  	v8 =	vshll.u32 v2, $0x3;
	v9 =	vand.u32 $0xFFFFF87F, v2;
	v11 =	vshll.u32 v1, $0x3  }
0x25: {  	v12 =	vand.u32 $0xFFFFF87F, v3;
	v2 =	vshrl.u32 v2, $0x1;
	v13 =	vshrl.u32 v4, $0x1  }
0x26: {  	v1 =	vand.u32 $0xFFFFF87F, v1;
	v15 =	vand.u32 $0xFFFFF87F, v10;
	v63 =	vand.u32 $0xFFFFF87F, v18  }
0x27: {  	v14 =	vld [tilespmem:s17+$0xFFFFFFF0];
	v5 =	vand.u32 $0x380, v5;
	v6 =	vand.u32 $0x400, v6;
	v8 =	vand.u32 $0x400, v8  }
0x28: {  	v11 =	vand.u32 $0x400, v11;
	v13 =	vand.u32 $0x380, v13;
	v7 =	vand.u32 $0x380, v7  }
0x29: {  	v2 =	vand.u32 $0x380, v2;
	v0 =	vor.u32 v6, v0;
	v6 =	vshll.u32 v4, $0x3  }
0x2a: {  	v1 =	vor.u32 v11, v1;
	v11 =	vshll.u32 v10, $0x3;
	v4 =	vand.u32 $0xFFFFF87F, v4  }
0x2b: {  	v1 =	vor.u32 v7, v1;
	v7 =	vor.u32 v8, v9;
	v8 =	vand.u32 $0x400, v11  }
0x2c: {  	v9 =	vshll.u32 v3, $0x3;
	v6 =	vand.u32 $0x400, v6;
	v11 =	vshll.u32 v14, $0x3  }
0x2d: {  	v3 =	vshrl.u32 v3, $0x1;
	v5 =	vor.u32 v5, v0;
	v7 =	vor.u32 v2, v7  }
0x2e: {  	v2 =	vshrl.u32 v10, $0x1;
	v8 =	vor.u32 v8, v15;
	v10 =	vld [tilespmem:s17+$0x0];
	v9 =	vand.u32 $0x400, v9  }
0x2f: {  	v4 =	vor.u32 v6, v4;
	v6 =	vand.u32 $0x400, v11;
	v11 =	vand.u32 $0xFFFFF87F, v14;
	v15 =	vld [tilespmem:s18+$0xFFFFFFE0]  }
0x30: {  	v3 =	vand.u32 $0x380, v3;
	v4 =	vor.u32 v13, v4;
	v6 =	vor.u32 v6, v11;
	v11 =	vld [tilespmem:s18+$0xFFFFFFD0]  }
0x31: {  	v9 =	vor.u32 v9, v12;
	v2 =	vand.u32 $0x380, v2;
	v12 =	vshrl.u32 v14, $0x1;
	v13 =	vld [tilespmem:s18+$0x30]  }
0x32: {  	v12 =	vand.u32 $0x380, v12;
	v8 =	vor.u32 v2, v8;
	v9 =	vor.u32 v3, v9  }
0x33: {  	v6 =	vor.u32 v12, v6;
	v12 =	vld [tilespmem:s18+$0x20];
	v0 =	vshll.u32 v10, $0x3;
	v14 =	vshrl.u32 v10, $0x1  }
0x34: {  	s29 =	simm.s32 $0x0;
	v1 =	vld.idx.msk [tilespmem:v1+s1+$0x0], $0xffff;
	v10 =	vand.u32 $0xFFFFF87F, v10;
	v3 =	vshll.u32 v15, $0x3;
	v17 =	vand.u32 $0xFFFFF87F, v15  }
0x35: {  	s19 =	simm.s32 $0x0;
	s20 =	sand.u32 $0x400, s1;
	s17 =	sand.u32 $0x1800, s29;
	v5 =	vld.idx.msk [tilespmem:v5+s1+$0x0], $0xffff;
	v15 =	vshrl.u32 v15, $0x1;
	v16 =	vand.u32 $0x400, v0;
	v14 =	vand.u32 $0x380, v14  }
0x36: {  	s19 =	sand.u32 $0x380, s19;
	s17 =	sor.u32 s20, s17;
	v22 =	vld.idx.msk [tilespmem:v7+s1+$0x0], $0xffff;
	v2 =	vshrl.u32 v11, $0x1;
	v61 =	vshrl.u32 v13, $0x1;
	v10 =	vor.u32 v16, v10  }
0x37: {  	s20 =	sor.u32 s19, s17;
	v0 =	vld [tilespmem:s18+$0xFFFFFFC0];
	v19 =	vshll.u32 v13, $0x3;
	v13 =	vand.u32 $0xFFFFF87F, v13;
	v10 =	vor.u32 v14, v10  }
0x38: {  	s17 =	sadd.s32 $0x11100, s20;
	v20 =	vld.idx.msk [tilespmem:v4+s1+$0x0], $0xffff;
	v2 =	vand.u32 $0x380, v2;
	v16 =	vand.u32 $0x380, v61;
	v14 =	vshll.u32 v11, $0x3  }
0x39: {  	v9 =	vld.idx.msk [tilespmem:v9+s1+$0x0], $0xffff;
	v11 =	vand.u32 $0xFFFFF87F, v11;
	v62 =	vshrl.u32 v12, $0x1;
	v4 =	vand.u32 $0x400, v14;
	[tilespmem:s17+$0x70] =	vst v1  }
0x3a: {  	v14 =	vand.u32 $0x400, v3;
	v3 =	vld [tilespmem:s18+$0xFFFFFFF0];
	v1 =	vshll.u32 v18, $0x3;
	[tilespmem:s17+$0x10] =	vst v5;
	v5 =	vand.u32 $0x380, v15  }
0x3b: {  	v15 =	vshrl.u32 v18, $0x1;
	v4 =	vor.u32 v4, v11;
	v11 =	vand.u32 $0x400, v19  }
0x3c: {  	v19 =	vand.u32 $0x380, v62;
	v7 =	vor.u32 v14, v17;
	v11 =	vor.u32 v11, v13;
	v10 =	vld.idx.msk [tilespmem:v10+s1+$0x0], $0xffff  }
0x3d: {  	v8 =	vld.idx.msk [tilespmem:v8+s1+$0x0], $0xffff;
	v14 =	vand.u32 $0x400, v1;
	v21 =	vand.u32 $0xFFFFF87F, v0;
	v11 =	vor.u32 v16, v11  }
0x3e: {  	[tilespmem:s17+$0x20] =	vst v22;
	v13 =	vshll.u32 v12, $0x3;
	v1 =	vor.u32 v5, v7;
	v5 =	vor.u32 v14, v63;
	v7 =	vld.idx.msk [tilespmem:v6+s1+$0x0], $0xffff  }
0x3f: {  	v12 =	vand.u32 $0xFFFFF87F, v12;
	v13 =	vand.u32 $0x400, v13;
	[tilespmem:s20+$0x11100] =	vst v9;
	v9 =	vld [tilespmem:s18+$0x0];
	v6 =	vshll.u32 v3, $0x3  }
0x40: {  	s22 =	simm.s32 $0x80;
	s19 =	simm.s32 $0x400;
	[tilespmem:s17+$0x60] =	vst v20;
	v14 =	vshll.u32 v0, $0x3;
	v12 =	vor.u32 v13, v12;
	v13 =	vand.u32 $0x400, v6  }
0x41: {  	s21 =	simm.s32 $0x8;
	s30 =	sand.u32 $0x1800, s22;
	s31 =	sand.u32 $0x400, s19;
	v6 =	vor.u32 v19, v12;
	[tilespmem:s17+$0x40] =	vst v10;
	v10 =	vand.u32 $0x400, v14;
	v14 =	vand.u32 $0xFFFFF87F, v3  }
0x42: {  	s22 =	simm.s32 $0x10140;
	[tilespmem:s17+$0x50] =	vst v8;
	s18 =	simm.s32 $0x40;
	s20 =	sor.u32 s31, s30;
	v12 =	vand.u32 $0x380, v15;
	v8 =	vld.idx.msk [tilespmem:v11+s1+$0x0], $0xffff;
	v10 =	vor.u32 v10, v21;
	v11 =	vor.u32 v13, v14  }
.LBB2_2:
0x43: {  	s21 =	sadd.s32 $0x8, s21;
	v13 =	vld [tilespmem:s22+$0xFFFFFFD0];
	v14 =	vshrl.u32 v0, $0x1;
	v2 =	vor.u32 v2, v4;
	v3 =	vshrl.u32 v3, $0x1;
	s19 =	sadd.s32 $0x400, s19;
	[tilespmem:s17+$0x30] =	vst v7  }
0x44: {  	s23 =	sand.u32 $0x380, s18;
	s17 =	sshll.u32 s21, $0x4;
	v7 =	vld [tilespmem:s22+$0x30];
	s18 =	sshll.u32 s21, $0x3;
	v0 =	vshll.u32 v9, $0x3;
	v4 =	vshrl.u32 v9, $0x1  }
0x45: {  	s24 =	sand.u32 $0x400, s19;
	s23 =	sor.u32 s23, s20;
	v9 =	vand.u32 $0xFFFFF87F, v9;
	s17 =	sand.u32 $0x1800, s17;
	v15 =	vld [tilespmem:s22+$0xFFFFFFE0];
	v16 =	vand.u32 $0x400, v0;
	v4 =	vand.u32 $0x380, v4  }
0x46: {  	p0 =	slt.u32 s21, $0x108;
	v14 =	vand.u32 $0x380, v14;
	v3 =	vand.u32 $0x380, v3;
	v0 =	vld [tilespmem:s22+$0xFFFFFFC0];
	s20 =	sor.u32 s24, s17;
	s17 =	sadd.s32 $0x11100, s23;
	v9 =	vor.u32 v16, v9  }
0x47: {  	v5 =	vor.u32 v12, v5;
	v11 =	vor.u32 v3, v11;
	v16 =	vld [tilespmem:s22+$0x20];
	v9 =	vor.u32 v4, v9;
	[tilespmem:s17+$0x70] =	vst v8  }
0x48: {  	v8 =	vor.u32 v14, v10;
	v3 =	vshll.u32 v13, $0x3;
	v4 =	vshrl.u32 v13, $0x1;
	v10 =	vld.idx.msk [tilespmem:v2+s1+$0x0], $0xffff  }
0x49: {  	v2 =	vand.u32 $0x380, v4;
	v4 =	vand.u32 $0xFFFFF87F, v13;
	v12 =	vshrl.u32 v7, $0x1;
	v6 =	vld.idx.msk [tilespmem:v6+s1+$0x0], $0xffff  }
0x4a: {  	v18 =	vshll.u32 v7, $0x3;
	v13 =	vshll.u32 v15, $0x3;
	v14 =	vand.u32 $0xFFFFF87F, v15;
	v17 =	vld [tilespmem:s22+$0x10]  }
0x4b: {  	v20 =	vand.u32 $0x400, v3;
	v19 =	vand.u32 $0xFFFFF87F, v0;
	v13 =	vand.u32 $0x400, v13;
	v3 =	vld [tilespmem:s22+$0xFFFFFFF0]  }
0x4c: {  	v4 =	vor.u32 v20, v4;
	v15 =	vshrl.u32 v15, $0x1;
	v20 =	vshll.u32 v16, $0x3;
	v21 =	vld.idx.msk [tilespmem:v9+s1+$0x0], $0xffff  }
0x4d: {  	v7 =	vand.u32 $0xFFFFF87F, v7;
	v18 =	vand.u32 $0x400, v18;
	v9 =	vshrl.u32 v16, $0x1;
	v8 =	vld.idx.msk [tilespmem:v8+s1+$0x0], $0xffff  }
0x4e: {  	v7 =	vor.u32 v18, v7;
	v22 =	vand.u32 $0x380, v9;
	v9 =	vand.u32 $0x380, v12;
	[tilespmem:s17+$0x10] =	vst v10;
	v10 =	vld.idx.msk [tilespmem:v5+s1+$0x0], $0xffff  }
0x4f: {  	v18 =	vor.u32 v9, v7;
	v5 =	vshll.u32 v17, $0x3;
	v12 =	vand.u32 $0xFFFFF87F, v17;
	v23 =	vld.idx.msk [tilespmem:v1+s1+$0x0], $0xffff;
	[tilespmem:s17+$0x60] =	vst v6  }
0x50: {  	v1 =	vand.u32 $0x380, v15;
	v6 =	vor.u32 v13, v14;
	v5 =	vand.u32 $0x400, v5;
	v7 =	vld.idx.msk [tilespmem:v11+s1+$0x0], $0xffff  }
.Ltmp0:
0x51: {  	v13 =	vshrl.u32 v17, $0x1;
	v1 =	vor.u32 v1, v6;
	v5 =	vor.u32 v5, v12;
	(pc) =	sbr.rel @p0 .LBB2_2-.Ltmp0, $4  }
0x52: {  	v6 =	vshll.u32 v0, $0x3;
	v11 =	vand.u32 $0x400, v20;
	v12 =	vand.u32 $0xFFFFF87F, v16;
	v9 =	vld [tilespmem:s22+$0x0];
	[tilespmem:s17+$0x40] =	vst v21  }
0x53: {  	v14 =	vand.u32 $0x400, v6;
	v6 =	vshll.u32 v3, $0x3;
	v11 =	vor.u32 v11, v12;
	[tilespmem:s23+$0x11100] =	vst v8  }
0x54: {  	v15 =	vand.u32 $0xFFFFF87F, v3;
	v12 =	vand.u32 $0x400, v6;
	v6 =	vor.u32 v22, v11;
	v8 =	vld.idx.msk [tilespmem:v18+s1+$0x0], $0xffff;
	[tilespmem:s17+$0x50] =	vst v10  }
0x55: {  	s22 =	sadd.s32 $0x80, s22;
	v11 =	vor.u32 v12, v15;
	v12 =	vand.u32 $0x380, v13;
	v10 =	vor.u32 v14, v19;
	[tilespmem:s17+$0x20] =	vst v23  }
0x56: {  	v2 =	vor.u32 v2, v4;
	v0 =	vshrl.u32 v0, $0x1;
	v3 =	vshrl.u32 v3, $0x1  }
0x57: {  	v5 =	vor.u32 v12, v5;
	v4 =	vshll.u32 v9, $0x3;
	v13 =	vshrl.u32 v9, $0x1  }
0x58: {  	v9 =	vand.u32 $0xFFFFF87F, v9;
	v0 =	vand.u32 $0x380, v0;
	v4 =	vand.u32 $0x400, v4  }
0x59: {  	v13 =	vand.u32 $0x380, v13;
	v0 =	vor.u32 v0, v10;
	v4 =	vor.u32 v4, v9  }
0x5a: {  	v6 =	vld.idx.msk [tilespmem:v6+s1+$0x0], $0xffff;
	v3 =	vand.u32 $0x380, v3;
	v4 =	vor.u32 v13, v4  }
0x5b: {  	s18 =	sand.u32 $0x380, s18;
	v3 =	vor.u32 v3, v11;
	v2 =	vld.idx.msk [tilespmem:v2+s1+$0x0], $0xffff  }
0x5c: {  	v1 =	vld.idx.msk [tilespmem:v1+s1+$0x0], $0xffff;
	s18 =	sor.u32 s18, s20  }
0x5d: {  	[tilespmem:s17+$0x30] =	vst v7;
	s23 =	sadd.s32 $0x11100, s18;
	v5 =	vld.idx.msk [tilespmem:v5+s1+$0x0], $0xffff  }
0x5e: {  	[tilespmem:s23+$0x70] =	vst v8;
	v0 =	vld.idx.msk [tilespmem:v0+s1+$0x0], $0xffff  }
0x5f: {  	[tilespmem:s23+$0x60] =	vst v6;
	v4 =	vld.idx.msk [tilespmem:v4+s1+$0x0], $0xffff  }
0x60: {  	[tilespmem:s23+$0x10] =	vst v2;
	v2 =	vld.idx.msk [tilespmem:v3+s1+$0x0], $0xffff  }
0x61: {  	[tilespmem:s23+$0x20] =	vst v1  }
0x62: {  	[tilespmem:s23+$0x50] =	vst v5  }
0x63: {  	[tilespmem:s18+$0x11100] =	vst v0  }
0x64: {  	[tilespmem:s23+$0x40] =	vst v4  }
0x65: {  	s24 =	simm.s32 $0x0;
	[tilespmem:s23+$0x30] =	vst v2  }
0x66: {  	[hbm4b:s5+s24] =	stream.linear.scatter [tilespmem:s15], [sflag:$0x2], $0x1800, $0x38;
	[tilespmem:$0x12900] =	vst v63  }
0x67: {  	_ =	swait.ge [sflag:s13], $0x1800  }
0x68: {  	[sflag:s13] =	ssyncset.done $0x0  }
0x69: {  	[sflag:s13] =	ssyncadd.s32 $0xFFFFE800  }
0x6a: {  	[tilespmem:s24], [sflag:$0x1] =	stream.linear.gather [hbm4b:s6+s24], $0x10000, $0x38;
	[tilespmem:$0x12900] =	vst v63  }
0x6b: {  	_ = 	snop  }
0x6c: {  	[tilespmem:s12], [sflag:$0x2] =	stream.strided.gather [hbm4b:s7+s10], $0x1100, s11, s10, $0x38;
	[tilespmem:$0x12900] =	vst v63  }
0x6d: {  	_ =	swait.ge [sflag:s13], $0x1100  }
0x6e: {  	[sflag:s13] =	ssyncset.done $0x0  }
0x6f: {  	[sflag:s13] =	ssyncadd.s32 $0xFFFFEF00  }
0x70: {  	_ =	swait.ge [sflag:s14], $0x10000  }
0x71: {  	[sflag:s14] =	ssyncset.done $0x0  }
0x72: {  	s25 =	simm.s32 $0x10040;
	[sflag:s14] =	ssyncadd.s32 $0xFFFF0000  }
0x73: {  	v0 =	vld [tilespmem:s25+$0xFFFFFFD0]  }
0x74: {  	v1 =	vld [tilespmem:s25+$0x30]  }
0x75: {  	v2 =	vld [tilespmem:s25+$0xFFFFFFE0]  }
0x76: {  	v3 =	vld [tilespmem:s25+$0xFFFFFFC0]  }
0x77: {  	v4 =	vld [tilespmem:s25+$0x20]  }
0x78: {  	s26 =	simm.s32 $0x100C0;
	v10 =	vld [tilespmem:s25+$0x10]  }
0x79: {  	v18 =	vld [tilespmem:s26+$0x10]  }
0x7a: {  	v5 =	vshrl.u32 v0, $0x1  }
0x7b: {  	v6 =	vshll.u32 v0, $0x3;
	v0 =	vand.u32 $0xFFFFF87F, v0;
	v7 =	vshrl.u32 v1, $0x1  }
0x7c: {  	v8 =	vshll.u32 v2, $0x3;
	v9 =	vand.u32 $0xFFFFF87F, v2;
	v11 =	vshll.u32 v1, $0x3  }
0x7d: {  	v12 =	vand.u32 $0xFFFFF87F, v3;
	v2 =	vshrl.u32 v2, $0x1;
	v13 =	vshrl.u32 v4, $0x1  }
0x7e: {  	v1 =	vand.u32 $0xFFFFF87F, v1;
	v15 =	vand.u32 $0xFFFFF87F, v10;
	v63 =	vand.u32 $0xFFFFF87F, v18  }
0x7f: {  	v14 =	vld [tilespmem:s25+$0xFFFFFFF0];
	v5 =	vand.u32 $0x380, v5;
	v6 =	vand.u32 $0x400, v6;
	v8 =	vand.u32 $0x400, v8  }
0x80: {  	v11 =	vand.u32 $0x400, v11;
	v13 =	vand.u32 $0x380, v13;
	v7 =	vand.u32 $0x380, v7  }
0x81: {  	v2 =	vand.u32 $0x380, v2;
	v0 =	vor.u32 v6, v0;
	v6 =	vshll.u32 v4, $0x3  }
0x82: {  	v1 =	vor.u32 v11, v1;
	v11 =	vshll.u32 v10, $0x3;
	v4 =	vand.u32 $0xFFFFF87F, v4  }
0x83: {  	v1 =	vor.u32 v7, v1;
	v7 =	vor.u32 v8, v9;
	v8 =	vand.u32 $0x400, v11  }
0x84: {  	v9 =	vshll.u32 v3, $0x3;
	v6 =	vand.u32 $0x400, v6;
	v11 =	vshll.u32 v14, $0x3  }
0x85: {  	v3 =	vshrl.u32 v3, $0x1;
	v5 =	vor.u32 v5, v0;
	v7 =	vor.u32 v2, v7  }
0x86: {  	v2 =	vshrl.u32 v10, $0x1;
	v8 =	vor.u32 v8, v15;
	v10 =	vld [tilespmem:s25+$0x0];
	v9 =	vand.u32 $0x400, v9  }
0x87: {  	v4 =	vor.u32 v6, v4;
	v6 =	vand.u32 $0x400, v11;
	v11 =	vand.u32 $0xFFFFF87F, v14;
	v15 =	vld [tilespmem:s26+$0xFFFFFFE0]  }
0x88: {  	v3 =	vand.u32 $0x380, v3;
	v4 =	vor.u32 v13, v4;
	v6 =	vor.u32 v6, v11;
	v11 =	vld [tilespmem:s26+$0xFFFFFFD0]  }
0x89: {  	v9 =	vor.u32 v9, v12;
	v2 =	vand.u32 $0x380, v2;
	v12 =	vshrl.u32 v14, $0x1;
	v13 =	vld [tilespmem:s26+$0x30]  }
0x8a: {  	v12 =	vand.u32 $0x380, v12;
	v8 =	vor.u32 v2, v8;
	v9 =	vor.u32 v3, v9  }
0x8b: {  	v6 =	vor.u32 v12, v6;
	v12 =	vld [tilespmem:s26+$0x20];
	v0 =	vshll.u32 v10, $0x3;
	v14 =	vshrl.u32 v10, $0x1  }
0x8c: {  	s19 =	simm.s32 $0x0;
	v1 =	vld.idx.msk [tilespmem:v1+s1+$0x0], $0xffff;
	v10 =	vand.u32 $0xFFFFF87F, v10;
	v3 =	vshll.u32 v15, $0x3;
	v17 =	vand.u32 $0xFFFFF87F, v15  }
0x8d: {  	s28 =	simm.s32 $0x0;
	s19 =	sand.u32 $0x1800, s19;
	s17 =	sand.u32 $0x400, s24;
	v5 =	vld.idx.msk [tilespmem:v5+s1+$0x0], $0xffff;
	v15 =	vshrl.u32 v15, $0x1;
	v16 =	vand.u32 $0x400, v0;
	v14 =	vand.u32 $0x380, v14  }
0x8e: {  	s29 =	sand.u32 $0x380, s28;
	s17 =	sor.u32 s17, s19;
	v22 =	vld.idx.msk [tilespmem:v7+s1+$0x0], $0xffff;
	v2 =	vshrl.u32 v11, $0x1;
	v61 =	vshrl.u32 v13, $0x1;
	v10 =	vor.u32 v16, v10  }
0x8f: {  	s20 =	sor.u32 s29, s17;
	v0 =	vld [tilespmem:s26+$0xFFFFFFC0];
	v19 =	vshll.u32 v13, $0x3;
	v13 =	vand.u32 $0xFFFFF87F, v13;
	v10 =	vor.u32 v14, v10  }
0x90: {  	s17 =	sadd.s32 $0x11100, s20;
	v20 =	vld.idx.msk [tilespmem:v4+s1+$0x0], $0xffff;
	v2 =	vand.u32 $0x380, v2;
	v16 =	vand.u32 $0x380, v61;
	v14 =	vshll.u32 v11, $0x3  }
0x91: {  	v9 =	vld.idx.msk [tilespmem:v9+s1+$0x0], $0xffff;
	v11 =	vand.u32 $0xFFFFF87F, v11;
	v62 =	vshrl.u32 v12, $0x1;
	v4 =	vand.u32 $0x400, v14;
	[tilespmem:s17+$0x70] =	vst v1  }
0x92: {  	v14 =	vand.u32 $0x400, v3;
	v3 =	vld [tilespmem:s26+$0xFFFFFFF0];
	v1 =	vshll.u32 v18, $0x3;
	[tilespmem:s17+$0x10] =	vst v5;
	v5 =	vand.u32 $0x380, v15  }
0x93: {  	v15 =	vshrl.u32 v18, $0x1;
	v4 =	vor.u32 v4, v11;
	v11 =	vand.u32 $0x400, v19  }
0x94: {  	v19 =	vand.u32 $0x380, v62;
	v7 =	vor.u32 v14, v17;
	v11 =	vor.u32 v11, v13;
	v10 =	vld.idx.msk [tilespmem:v10+s1+$0x0], $0xffff  }
0x95: {  	v8 =	vld.idx.msk [tilespmem:v8+s1+$0x0], $0xffff;
	v14 =	vand.u32 $0x400, v1;
	v21 =	vand.u32 $0xFFFFF87F, v0;
	v11 =	vor.u32 v16, v11  }
0x96: {  	[tilespmem:s17+$0x20] =	vst v22;
	v13 =	vshll.u32 v12, $0x3;
	v1 =	vor.u32 v5, v7;
	v5 =	vor.u32 v14, v63;
	v7 =	vld.idx.msk [tilespmem:v6+s1+$0x0], $0xffff  }
0x97: {  	v12 =	vand.u32 $0xFFFFF87F, v12;
	v13 =	vand.u32 $0x400, v13;
	[tilespmem:s20+$0x11100] =	vst v9;
	v9 =	vld [tilespmem:s26+$0x0];
	v6 =	vshll.u32 v3, $0x3  }
0x98: {  	s22 =	simm.s32 $0x80;
	s19 =	simm.s32 $0x400;
	[tilespmem:s17+$0x60] =	vst v20;
	v14 =	vshll.u32 v0, $0x3;
	v12 =	vor.u32 v13, v12;
	v13 =	vand.u32 $0x400, v6  }
0x99: {  	s21 =	simm.s32 $0x8;
	s30 =	sand.u32 $0x1800, s22;
	s31 =	sand.u32 $0x400, s19;
	v6 =	vor.u32 v19, v12;
	[tilespmem:s17+$0x40] =	vst v10;
	v10 =	vand.u32 $0x400, v14;
	v14 =	vand.u32 $0xFFFFF87F, v3  }
0x9a: {  	s22 =	simm.s32 $0x10140;
	s18 =	simm.s32 $0x40;
	[tilespmem:s17+$0x50] =	vst v8;
	s20 =	sor.u32 s31, s30;
	v12 =	vand.u32 $0x380, v15;
	v8 =	vld.idx.msk [tilespmem:v11+s1+$0x0], $0xffff;
	v10 =	vor.u32 v10, v21;
	v11 =	vor.u32 v13, v14  }
.LBB2_4:
0x9b: {  	s21 =	sadd.s32 $0x8, s21;
	v13 =	vld [tilespmem:s22+$0xFFFFFFD0];
	v14 =	vshrl.u32 v0, $0x1;
	v2 =	vor.u32 v2, v4;
	v3 =	vshrl.u32 v3, $0x1;
	s19 =	sadd.s32 $0x400, s19;
	[tilespmem:s17+$0x30] =	vst v7  }
0x9c: {  	s23 =	sand.u32 $0x380, s18;
	s17 =	sshll.u32 s21, $0x4;
	v7 =	vld [tilespmem:s22+$0x30];
	s18 =	sshll.u32 s21, $0x3;
	v0 =	vshll.u32 v9, $0x3;
	v4 =	vshrl.u32 v9, $0x1  }
0x9d: {  	s24 =	sand.u32 $0x400, s19;
	s23 =	sor.u32 s23, s20;
	v9 =	vand.u32 $0xFFFFF87F, v9;
	s17 =	sand.u32 $0x1800, s17;
	v15 =	vld [tilespmem:s22+$0xFFFFFFE0];
	v16 =	vand.u32 $0x400, v0;
	v4 =	vand.u32 $0x380, v4  }
0x9e: {  	p0 =	slt.u32 s21, $0x108;
	v14 =	vand.u32 $0x380, v14;
	v3 =	vand.u32 $0x380, v3;
	v0 =	vld [tilespmem:s22+$0xFFFFFFC0];
	s20 =	sor.u32 s24, s17;
	s17 =	sadd.s32 $0x11100, s23;
	v9 =	vor.u32 v16, v9  }
0x9f: {  	v5 =	vor.u32 v12, v5;
	v11 =	vor.u32 v3, v11;
	v16 =	vld [tilespmem:s22+$0x20];
	v9 =	vor.u32 v4, v9;
	[tilespmem:s17+$0x70] =	vst v8  }
0xa0: {  	v8 =	vor.u32 v14, v10;
	v3 =	vshll.u32 v13, $0x3;
	v4 =	vshrl.u32 v13, $0x1;
	v10 =	vld.idx.msk [tilespmem:v2+s1+$0x0], $0xffff  }
0xa1: {  	v2 =	vand.u32 $0x380, v4;
	v4 =	vand.u32 $0xFFFFF87F, v13;
	v12 =	vshrl.u32 v7, $0x1;
	v6 =	vld.idx.msk [tilespmem:v6+s1+$0x0], $0xffff  }
0xa2: {  	v18 =	vshll.u32 v7, $0x3;
	v13 =	vshll.u32 v15, $0x3;
	v14 =	vand.u32 $0xFFFFF87F, v15;
	v17 =	vld [tilespmem:s22+$0x10]  }
0xa3: {  	v20 =	vand.u32 $0x400, v3;
	v19 =	vand.u32 $0xFFFFF87F, v0;
	v13 =	vand.u32 $0x400, v13;
	v3 =	vld [tilespmem:s22+$0xFFFFFFF0]  }
0xa4: {  	v4 =	vor.u32 v20, v4;
	v15 =	vshrl.u32 v15, $0x1;
	v20 =	vshll.u32 v16, $0x3;
	v21 =	vld.idx.msk [tilespmem:v9+s1+$0x0], $0xffff  }
0xa5: {  	v7 =	vand.u32 $0xFFFFF87F, v7;
	v18 =	vand.u32 $0x400, v18;
	v9 =	vshrl.u32 v16, $0x1;
	v8 =	vld.idx.msk [tilespmem:v8+s1+$0x0], $0xffff  }
0xa6: {  	v7 =	vor.u32 v18, v7;
	v22 =	vand.u32 $0x380, v9;
	v9 =	vand.u32 $0x380, v12;
	[tilespmem:s17+$0x10] =	vst v10;
	v10 =	vld.idx.msk [tilespmem:v5+s1+$0x0], $0xffff  }
0xa7: {  	v18 =	vor.u32 v9, v7;
	v5 =	vshll.u32 v17, $0x3;
	v12 =	vand.u32 $0xFFFFF87F, v17;
	v23 =	vld.idx.msk [tilespmem:v1+s1+$0x0], $0xffff;
	[tilespmem:s17+$0x60] =	vst v6  }
0xa8: {  	v1 =	vand.u32 $0x380, v15;
	v6 =	vor.u32 v13, v14;
	v5 =	vand.u32 $0x400, v5;
	v7 =	vld.idx.msk [tilespmem:v11+s1+$0x0], $0xffff  }
.Ltmp1:
0xa9: {  	v13 =	vshrl.u32 v17, $0x1;
	v1 =	vor.u32 v1, v6;
	v5 =	vor.u32 v5, v12;
	(pc) =	sbr.rel @p0 .LBB2_4-.Ltmp1, $4  }
0xaa: {  	v6 =	vshll.u32 v0, $0x3;
	v11 =	vand.u32 $0x400, v20;
	v12 =	vand.u32 $0xFFFFF87F, v16;
	v9 =	vld [tilespmem:s22+$0x0];
	[tilespmem:s17+$0x40] =	vst v21  }
0xab: {  	v14 =	vand.u32 $0x400, v6;
	v6 =	vshll.u32 v3, $0x3;
	v11 =	vor.u32 v11, v12;
	[tilespmem:s23+$0x11100] =	vst v8  }
0xac: {  	v15 =	vand.u32 $0xFFFFF87F, v3;
	v12 =	vand.u32 $0x400, v6;
	v6 =	vor.u32 v22, v11;
	v8 =	vld.idx.msk [tilespmem:v18+s1+$0x0], $0xffff;
	[tilespmem:s17+$0x50] =	vst v10  }
0xad: {  	s22 =	sadd.s32 $0x80, s22;
	v11 =	vor.u32 v12, v15;
	v12 =	vand.u32 $0x380, v13;
	v10 =	vor.u32 v14, v19;
	[tilespmem:s17+$0x20] =	vst v23  }
0xae: {  	v2 =	vor.u32 v2, v4;
	v0 =	vshrl.u32 v0, $0x1  }
0xaf: {  	v3 =	vshrl.u32 v3, $0x1;
	v5 =	vor.u32 v12, v5;
	v60 =	vshll.u32 v9, $0x3  }
0xb0: {  	v13 =	vshrl.u32 v9, $0x1;
	v61 =	vand.u32 $0xFFFFF87F, v9;
	v0 =	vand.u32 $0x380, v0  }
0xb1: {  	v3 =	vand.u32 $0x380, v3;
	v4 =	vand.u32 $0x400, v60;
	v0 =	vor.u32 v0, v10  }
0xb2: {  	v6 =	vld.idx.msk [tilespmem:v6+s1+$0x0], $0xffff;
	v62 =	vand.u32 $0x380, v13;
	v3 =	vor.u32 v3, v11;
	v4 =	vor.u32 v4, v61  }
0xb3: {  	s18 =	sand.u32 $0x380, s18;
	v1 =	vld.idx.msk [tilespmem:v1+s1+$0x0], $0xffff;
	v4 =	vor.u32 v62, v4  }
0xb4: {  	s18 =	sor.u32 s18, s20;
	v2 =	vld.idx.msk [tilespmem:v2+s1+$0x0], $0xffff  }
0xb5: {  	[tilespmem:s17+$0x30] =	vst v7;
	s31 =	sadd.s32 $0x11100, s18;
	v5 =	vld.idx.msk [tilespmem:v5+s1+$0x0], $0xffff  }
0xb6: {  	[tilespmem:s31+$0x70] =	vst v8;
	v0 =	vld.idx.msk [tilespmem:v0+s1+$0x0], $0xffff  }
0xb7: {  	[tilespmem:s31+$0x60] =	vst v6;
	v63 =	vld.idx.msk [tilespmem:v3+s1+$0x0], $0xffff  }
0xb8: {  	[tilespmem:s31+$0x20] =	vst v1;
	v4 =	vld.idx.msk [tilespmem:v4+s1+$0x0], $0xffff  }
0xb9: {  	[tilespmem:s31+$0x10] =	vst v2  }
0xba: {  	[tilespmem:s31+$0x50] =	vst v5  }
0xbb: {  	s16 =	sadd.s32 $0x1, s16;
	[tilespmem:s18+$0x11100] =	vst v0  }
0xbc: {  	p0 =	sne.s32 s16, s9;
	[tilespmem:s31+$0x30] =	vst v63  }
.Ltmp2:
0xbd: {  	[tilespmem:s31+$0x40] =	vst v4;
	(pc) =	sbr.rel @p0 .LBB2_1-.Ltmp2, $4  }
0xbe: {  	[hbm4b:s8+s1] =	stream.linear.scatter [tilespmem:s15], [sflag:$0x2], $0x1800, $0x38;
	[tilespmem:$0x12900] =	vst v63  }
0xbf: {  	_ =	swait.ge [sflag:s13], $0x1800  }
0xc0: {  	[sflag:s13] =	ssyncset.done $0x0  }
0xc1: {  	[sflag:s13] =	ssyncadd.s32 $0xFFFFE800  }
0xc2: {  	_ =	sfence.sel $0x180000  }
0xc3: {  	[bflag:$0x0] =	sbarrier.arrive $0xFFFF  }
0xc4: {  	p0 =	sne.s32 s2, $0x0;
	_ =	strace $0x90000047  }
0xc5: {  	s0 =	sadd.s32 @!p0 $0x100000, s0;
	[bflag:$0x2] =	sbarrier.arrive $0xFFFF  }
0xc6: {  	[sflag:s0] =	ssyncadd.tile.s32 @!p0 $0x1;
	_ =	shalt  }
.Lfunc_end2:
_tile_overlayer_lowered:
.L_overlay_start_2:
0xc7: {  	(tag) =	ssettag $0x2  }
0xc8: {  	s0 =	rddreg [dreg:$0x0];
	s2 =	stileid.u32  }
0xc9: {  	s1 =	rddreg [dreg:$0x1];
	p0 =	sne.s32 s2, $0x0  }
0xca: {  	s3 =	rddreg [dreg:$0x2];
	[bflag:$0x3] =	sbarrier.arrive $0xFFFF;
	s2 =	simm.s32 @!p0 $0x1C02  }
0xcb: {  	[timem:s3], [sflag:s2] =	dma.local @!p0 [hbm:s0], s1  }
0xcc: {  	s0 =	simm.s32 @!p0 $0x2  }
0xcd: {  	_ =	swait.ge @!p0 [sflag:s0], s1  }
0xce: {  	s1 =	ssub.s32 @!p0 $0x0, s1;
	[sflag:s0] =	ssyncset.done @!p0 $0x0  }
0xcf: {  	[sflag:s0] =	ssyncadd.s32 @!p0 s1  }
0xd0: {  	[bflag:$0x3] =	sbarrier.arrive $0xFFFF  }
0xd1: {  	_ =	shalt  }

</sc_bundles>
